<compile_context>
chip_gen: v7x
topology: tpu7x:2x2x1
jax: 0.10.2.dev20260603
libtpu: 0.0.44.dev20260713+nightly
codegen_flags: <defaults>
</compile_context>

<pallas_src>
import jax
import jax.numpy as jnp
from jax import lax
from jax.experimental import pallas as pl
from jax.experimental.pallas import tpu as pltpu
from jax.experimental.pallas import tpu_sc as plsc

D_MODEL = 128
N_ROWS = 4096 * 200
NUM_WORKERS = 32
ROWS_PER_WORKER = N_ROWS // NUM_WORKERS
CHUNK = 64
NUM_CHUNKS = ROWS_PER_WORKER // CHUNK
NBUF = 8
assert (NUM_CHUNKS - NBUF) % NBUF == 0


def _sc_body(ids_hbm, table_hbm, out_hbm, idx_v, table_s, *scratch):
    rows = scratch[:NBUF]
    gsem = scratch[NBUF:2 * NBUF]
    ssem = scratch[2 * NBUF:]
    cid = lax.axis_index("c")
    sid = lax.axis_index("s")
    wid = sid * 2 + cid
    base = wid * ROWS_PER_WORKER

    @pl.when(sid == 0)
    def _():
        pltpu.sync_copy(table_hbm, table_s)
    plsc.subcore_barrier()
    pltpu.sync_copy(ids_hbm.at[pl.ds(base, ROWS_PER_WORKER)], idx_v)

    def gather(t, b):
        pltpu.async_copy(
            table_s.at[idx_v.at[pl.ds(t * CHUNK, CHUNK)]], rows[b], gsem[b])

    def gather_wait(b):
        pltpu.make_async_copy(
            table_s.at[idx_v.at[pl.ds(0, CHUNK)]], rows[b], gsem[b]).wait()

    def scatter(t, b):
        pltpu.async_copy(
            rows[b], out_hbm.at[pl.ds(base + t * CHUNK, CHUNK)], ssem[b])

    def scatter_wait(b):
        pltpu.make_async_copy(
            rows[b], out_hbm.at[pl.ds(base, CHUNK)], ssem[b]).wait()

    for k in range(NBUF - 1):
        gather(k, k)
    gather_wait(0)
    scatter(0, 0)
    gather(NBUF - 1, NBUF - 1)

    def ring(i, carry):
        t0 = 1 + NBUF * i
        for db in range(NBUF):
            t = t0 + db
            b = (1 + db) % NBUF
            nb = db
            scatter_wait(nb)
            gather(t + NBUF - 1, nb)
            gather_wait(b)
            scatter(t, b)
        return carry

    lax.fori_loop(0, (NUM_CHUNKS - NBUF) // NBUF, ring, 0)

    for t in range(NUM_CHUNKS - NBUF + 1, NUM_CHUNKS):
        b = t % NBUF
        gather_wait(b)
        scatter(t, b)
    for b in range(NBUF):
        scatter_wait(b)


def kernel(branch_ids, branch_embed_weight):
    ids = branch_ids.reshape(-1).astype(jnp.int32)
    mesh = plsc.VectorSubcoreMesh(core_axis_name="c", subcore_axis_name="s")
    out = pl.kernel(
        _sc_body,
        out_type=jax.ShapeDtypeStruct((N_ROWS, D_MODEL), jnp.float32),
        mesh=mesh,
        scratch_types=(
            [pltpu.VMEM((ROWS_PER_WORKER,), jnp.int32),
             pltpu.VMEM_SHARED((512, D_MODEL), jnp.float32)]
            + [pltpu.VMEM((CHUNK, D_MODEL), jnp.float32)] * NBUF
            + [pltpu.SemaphoreType.DMA] * (2 * NBUF)
        ),
    )(ids, branch_embed_weight)
    return out.reshape(branch_ids.shape + (D_MODEL,))

# --- scband reference (transcript-rebuilt; emitter-appended) ---
"""Pipeline reference for scband-learnable-branch-encoding-26070451486885 (READ-ONLY COPY).

The authoritative reference and input builder live on the scoring server;
editing this copy changes nothing except your own understanding.
"""

import jax, jax.numpy as jnp
import numpy as np

D_MODEL = 128
MAX_BRANCHES = 512


def setup_inputs(seed: int = 0) -> dict:
    key = jax.random.key(seed)
    k1, k2 = jax.random.split(key)
    branch_ids = jax.random.randint(k1, (4096, 200), 0, MAX_BRANCHES, dtype=jnp.int64 if jax.config.read('jax_enable_x64') else jnp.int32)
    # learnable embedding table, init normal(0, 0.02) like the torch module
    branch_embed_weight = jax.random.normal(k2, (MAX_BRANCHES, D_MODEL), dtype=jnp.float32) * 0.02
    return {"branch_ids": branch_ids, "branch_embed_weight": branch_embed_weight}


def reference(branch_ids, branch_embed_weight):
    # clamp ids into [0, max_branches-1]
    ids = jnp.clip(branch_ids.astype(jnp.int32), 0, MAX_BRANCHES - 1)
    # embedding lookup: gather rows of the table
    embeddings = jnp.take(branch_embed_weight, ids, axis=0)
    # dropout=0.0 -> identity
    return embeddings

if __name__ == "__main__":
    import jax
    _d = setup_inputs()
    print(jax.jit(kernel)(*tuple(_d.values())))

</pallas_src>

<mosaic_0001>
#map = affine_map<(d0, d1) -> (0)>
#map1 = affine_map<(d0, d1) -> (0, 0)>
module attributes {stable_mosaic.version = 14 : i64} {
  func.func @_sc_body(%arg0: i32, %arg1: i32, %arg2: memref<819200xi32, #tpu.memory_space<hbm>>, %arg3: memref<512x128xf32, #tpu.memory_space<hbm>>, %arg4: memref<819200x128xf32, #tpu.memory_space<hbm>>, %arg5: memref<25600xi32, #tpu.memory_space<vmem>>, %arg6: memref<512x128xf32, #tpu.memory_space<vmem_shared>>, %arg7: memref<64x128xf32, #tpu.memory_space<vmem>>, %arg8: memref<64x128xf32, #tpu.memory_space<vmem>>, %arg9: memref<64x128xf32, #tpu.memory_space<vmem>>, %arg10: memref<64x128xf32, #tpu.memory_space<vmem>>, %arg11: memref<64x128xf32, #tpu.memory_space<vmem>>, %arg12: memref<64x128xf32, #tpu.memory_space<vmem>>, %arg13: memref<64x128xf32, #tpu.memory_space<vmem>>, %arg14: memref<64x128xf32, #tpu.memory_space<vmem>>, %arg15: memref<!tpu.dma_semaphore, #tpu.memory_space<semaphore_mem>>, %arg16: memref<!tpu.dma_semaphore, #tpu.memory_space<semaphore_mem>>, %arg17: memref<!tpu.dma_semaphore, #tpu.memory_space<semaphore_mem>>, %arg18: memref<!tpu.dma_semaphore, #tpu.memory_space<semaphore_mem>>, %arg19: memref<!tpu.dma_semaphore, #tpu.memory_space<semaphore_mem>>, %arg20: memref<!tpu.dma_semaphore, #tpu.memory_space<semaphore_mem>>, %arg21: memref<!tpu.dma_semaphore, #tpu.memory_space<semaphore_mem>>, %arg22: memref<!tpu.dma_semaphore, #tpu.memory_space<semaphore_mem>>, %arg23: memref<!tpu.dma_semaphore, #tpu.memory_space<semaphore_mem>>, %arg24: memref<!tpu.dma_semaphore, #tpu.memory_space<semaphore_mem>>, %arg25: memref<!tpu.dma_semaphore, #tpu.memory_space<semaphore_mem>>, %arg26: memref<!tpu.dma_semaphore, #tpu.memory_space<semaphore_mem>>, %arg27: memref<!tpu.dma_semaphore, #tpu.memory_space<semaphore_mem>>, %arg28: memref<!tpu.dma_semaphore, #tpu.memory_space<semaphore_mem>>, %arg29: memref<!tpu.dma_semaphore, #tpu.memory_space<semaphore_mem>>, %arg30: memref<!tpu.dma_semaphore, #tpu.memory_space<semaphore_mem>>) attributes {dimension_semantics = [#tpu.dimension_semantics<core_parallel>, #tpu.dimension_semantics<subcore_parallel>], iteration_bounds = array<i64: 2, 16>, scalar_prefetch = 0 : i64, scratch_operands = 26 : i64, tpu.core_type = #tpu.core_type<sc_vector_subcore>, window_params = [{transform_indices = #map}, {transform_indices = #map1}, {transform_indices = #map1}]} {
    %mul3A = arith.constant 2 : i32
    %mul3A_0 = arith.muli %arg1, %mul3A : i32
    %add3A = arith.addi %mul3A_0, %arg0 : i32
    %mul3A_1 = arith.constant 25600 : i32
    %mul3A_2 = arith.muli %add3A, %mul3A_1 : i32
    %eq3A = arith.constant 0 : i32
    %eq3A_3 = arith.cmpi eq, %arg1, %eq3A : i32
    %convert_element_type3A = arith.extui %eq3A_3 : i1 to i32
    %cond3A = arith.constant 0 : i32
    %cond3A_4 = arith.cmpi ne, %convert_element_type3A, %cond3A : i32
    scf.if %cond3A_4 {
      "tpu.region"() ({
        %run_scoped3A = tpu.sem_alloc : memref<!tpu.dma_semaphore, #tpu.memory_space<semaphore_mem>>
        tpu.enqueue_dma source(%arg3 : memref<512x128xf32, #tpu.memory_space<hbm>>) target(%arg6 : memref<512x128xf32, #tpu.memory_space<vmem_shared>>) target_semaphore(%run_scoped3A : memref<!tpu.dma_semaphore, #tpu.memory_space<semaphore_mem>>)
        tpu.wait_dma2 semaphore(%run_scoped3A : memref<!tpu.dma_semaphore, #tpu.memory_space<semaphore_mem>>) src(%arg3 : memref<512x128xf32, #tpu.memory_space<hbm>>) dst(%arg6 : memref<512x128xf32, #tpu.memory_space<vmem_shared>>)
        tpu.yield
      }) : () -> ()
    } else {
    }
    %barrier3A = arith.constant 0 : index
    tpu.barrier barrier_id(%barrier3A)
    "tpu.region"() ({
      %run_scoped3A = tpu.sem_alloc : memref<!tpu.dma_semaphore, #tpu.memory_space<semaphore_mem>>
      %dma_start3A_168 = tpu.memref_slice %arg2[%mul3A_2] : memref<819200xi32, #tpu.memory_space<hbm>> -> memref<25600xi32, #tpu.memory_space<hbm>>
      %dma_start3A_169 = tpu.memref_slice %arg2[%mul3A_2] : memref<819200xi32, #tpu.memory_space<hbm>> -> memref<25600xi32, #tpu.memory_space<hbm>>
      tpu.enqueue_dma source(%dma_start3A_169 : memref<25600xi32, #tpu.memory_space<hbm>>) target(%arg5 : memref<25600xi32, #tpu.memory_space<vmem>>) target_semaphore(%run_scoped3A : memref<!tpu.dma_semaphore, #tpu.memory_space<semaphore_mem>>)
      %dma_wait3A_170 = tpu.memref_slice %arg2[%mul3A_2] : memref<819200xi32, #tpu.memory_space<hbm>> -> memref<25600xi32, #tpu.memory_space<hbm>>
      %dma_wait3A_171 = tpu.memref_slice %arg2[%mul3A_2] : memref<819200xi32, #tpu.memory_space<hbm>> -> memref<25600xi32, #tpu.memory_space<hbm>>
      tpu.wait_dma2 semaphore(%run_scoped3A : memref<!tpu.dma_semaphore, #tpu.memory_space<semaphore_mem>>) src(%dma_wait3A_171 : memref<25600xi32, #tpu.memory_space<hbm>>) dst(%arg5 : memref<25600xi32, #tpu.memory_space<vmem>>)
      tpu.yield
    }) : () -> ()
    %dma_start3A = arith.constant 0 : i32
    %dma_start3A_5 = tpu.memref_slice %arg5[%dma_start3A] : memref<25600xi32, #tpu.memory_space<vmem>> -> memref<64xi32, #tpu.memory_space<vmem>>
    %dma_start3A_6 = arith.constant 0 : i32
    %dma_start3A_7 = arith.constant 0 : i32
    %dma_start3A_8 = tpu.memref_slice %arg6[%dma_start3A_6, %dma_start3A_7] : memref<512x128xf32, #tpu.memory_space<vmem_shared>> -> memref<512x128xf32, #tpu.memory_space<vmem_shared>>
    tpu.enqueue_indirect_dma source(%dma_start3A_8 : memref<512x128xf32, #tpu.memory_space<vmem_shared>>) target(%arg7 : memref<64x128xf32, #tpu.memory_space<vmem>>) offsets(%dma_start3A_5 : memref<64xi32, #tpu.memory_space<vmem>>) semaphore(%arg15 : memref<!tpu.dma_semaphore, #tpu.memory_space<semaphore_mem>>)
    %dma_start3A_9 = arith.constant 64 : i32
    %dma_start3A_10 = tpu.memref_slice %arg5[%dma_start3A_9] : memref<25600xi32, #tpu.memory_space<vmem>> -> memref<64xi32, #tpu.memory_space<vmem>>
    %dma_start3A_11 = arith.constant 0 : i32
    %dma_start3A_12 = arith.constant 0 : i32
    %dma_start3A_13 = tpu.memref_slice %arg6[%dma_start3A_11, %dma_start3A_12] : memref<512x128xf32, #tpu.memory_space<vmem_shared>> -> memref<512x128xf32, #tpu.memory_space<vmem_shared>>
    tpu.enqueue_indirect_dma source(%dma_start3A_13 : memref<512x128xf32, #tpu.memory_space<vmem_shared>>) target(%arg8 : memref<64x128xf32, #tpu.memory_space<vmem>>) offsets(%dma_start3A_10 : memref<64xi32, #tpu.memory_space<vmem>>) semaphore(%arg16 : memref<!tpu.dma_semaphore, #tpu.memory_space<semaphore_mem>>)
    %dma_start3A_14 = arith.constant 128 : i32
    %dma_start3A_15 = tpu.memref_slice %arg5[%dma_start3A_14] : memref<25600xi32, #tpu.memory_space<vmem>> -> memref<64xi32, #tpu.memory_space<vmem>>
    %dma_start3A_16 = arith.constant 0 : i32
    %dma_start3A_17 = arith.constant 0 : i32
    %dma_start3A_18 = tpu.memref_slice %arg6[%dma_start3A_16, %dma_start3A_17] : memref<512x128xf32, #tpu.memory_space<vmem_shared>> -> memref<512x128xf32, #tpu.memory_space<vmem_shared>>
    tpu.enqueue_indirect_dma source(%dma_start3A_18 : memref<512x128xf32, #tpu.memory_space<vmem_shared>>) target(%arg9 : memref<64x128xf32, #tpu.memory_space<vmem>>) offsets(%dma_start3A_15 : memref<64xi32, #tpu.memory_space<vmem>>) semaphore(%arg17 : memref<!tpu.dma_semaphore, #tpu.memory_space<semaphore_mem>>)
    %dma_start3A_19 = arith.constant 192 : i32
    %dma_start3A_20 = tpu.memref_slice %arg5[%dma_start3A_19] : memref<25600xi32, #tpu.memory_space<vmem>> -> memref<64xi32, #tpu.memory_space<vmem>>
    %dma_start3A_21 = arith.constant 0 : i32
    %dma_start3A_22 = arith.constant 0 : i32
    %dma_start3A_23 = tpu.memref_slice %arg6[%dma_start3A_21, %dma_start3A_22] : memref<512x128xf32, #tpu.memory_space<vmem_shared>> -> memref<512x128xf32, #tpu.memory_space<vmem_shared>>
    tpu.enqueue_indirect_dma source(%dma_start3A_23 : memref<512x128xf32, #tpu.memory_space<vmem_shared>>) target(%arg10 : memref<64x128xf32, #tpu.memory_space<vmem>>) offsets(%dma_start3A_20 : memref<64xi32, #tpu.memory_space<vmem>>) semaphore(%arg18 : memref<!tpu.dma_semaphore, #tpu.memory_space<semaphore_mem>>)
    %dma_start3A_24 = arith.constant 256 : i32
    %dma_start3A_25 = tpu.memref_slice %arg5[%dma_start3A_24] : memref<25600xi32, #tpu.memory_space<vmem>> -> memref<64xi32, #tpu.memory_space<vmem>>
    %dma_start3A_26 = arith.constant 0 : i32
    %dma_start3A_27 = arith.constant 0 : i32
    %dma_start3A_28 = tpu.memref_slice %arg6[%dma_start3A_26, %dma_start3A_27] : memref<512x128xf32, #tpu.memory_space<vmem_shared>> -> memref<512x128xf32, #tpu.memory_space<vmem_shared>>
    tpu.enqueue_indirect_dma source(%dma_start3A_28 : memref<512x128xf32, #tpu.memory_space<vmem_shared>>) target(%arg11 : memref<64x128xf32, #tpu.memory_space<vmem>>) offsets(%dma_start3A_25 : memref<64xi32, #tpu.memory_space<vmem>>) semaphore(%arg19 : memref<!tpu.dma_semaphore, #tpu.memory_space<semaphore_mem>>)
    %dma_start3A_29 = arith.constant 320 : i32
    %dma_start3A_30 = tpu.memref_slice %arg5[%dma_start3A_29] : memref<25600xi32, #tpu.memory_space<vmem>> -> memref<64xi32, #tpu.memory_space<vmem>>
    %dma_start3A_31 = arith.constant 0 : i32
    %dma_start3A_32 = arith.constant 0 : i32
    %dma_start3A_33 = tpu.memref_slice %arg6[%dma_start3A_31, %dma_start3A_32] : memref<512x128xf32, #tpu.memory_space<vmem_shared>> -> memref<512x128xf32, #tpu.memory_space<vmem_shared>>
    tpu.enqueue_indirect_dma source(%dma_start3A_33 : memref<512x128xf32, #tpu.memory_space<vmem_shared>>) target(%arg12 : memref<64x128xf32, #tpu.memory_space<vmem>>) offsets(%dma_start3A_30 : memref<64xi32, #tpu.memory_space<vmem>>) semaphore(%arg20 : memref<!tpu.dma_semaphore, #tpu.memory_space<semaphore_mem>>)
    %dma_start3A_34 = arith.constant 384 : i32
    %dma_start3A_35 = tpu.memref_slice %arg5[%dma_start3A_34] : memref<25600xi32, #tpu.memory_space<vmem>> -> memref<64xi32, #tpu.memory_space<vmem>>
    %dma_start3A_36 = arith.constant 0 : i32
    %dma_start3A_37 = arith.constant 0 : i32
    %dma_start3A_38 = tpu.memref_slice %arg6[%dma_start3A_36, %dma_start3A_37] : memref<512x128xf32, #tpu.memory_space<vmem_shared>> -> memref<512x128xf32, #tpu.memory_space<vmem_shared>>
    tpu.enqueue_indirect_dma source(%dma_start3A_38 : memref<512x128xf32, #tpu.memory_space<vmem_shared>>) target(%arg13 : memref<64x128xf32, #tpu.memory_space<vmem>>) offsets(%dma_start3A_35 : memref<64xi32, #tpu.memory_space<vmem>>) semaphore(%arg21 : memref<!tpu.dma_semaphore, #tpu.memory_space<semaphore_mem>>)
    %dma_wait3A = arith.constant 0 : i32
    %dma_wait3A_39 = tpu.memref_slice %arg5[%dma_wait3A] : memref<25600xi32, #tpu.memory_space<vmem>> -> memref<64xi32, #tpu.memory_space<vmem>>
    %dma_wait3A_40 = arith.constant 0 : i32
    %dma_wait3A_41 = arith.constant 0 : i32
    %dma_wait3A_42 = tpu.memref_slice %arg6[%dma_wait3A_40, %dma_wait3A_41] : memref<512x128xf32, #tpu.memory_space<vmem_shared>> -> memref<512x128xf32, #tpu.memory_space<vmem_shared>>
    tpu.wait_indirect_dma semaphore(%arg15 : memref<!tpu.dma_semaphore, #tpu.memory_space<semaphore_mem>>) src(%dma_wait3A_42 : memref<512x128xf32, #tpu.memory_space<vmem_shared>>) dst(%arg7 : memref<64x128xf32, #tpu.memory_space<vmem>>)
    %add3A_43 = arith.constant 0 : i32
    %add3A_44 = arith.addi %mul3A_2, %add3A_43 : i32
    %dma_start3A_45 = arith.constant 0 : i32
    %dma_start3A_46 = tpu.memref_slice %arg4[%add3A_44, %dma_start3A_45] : memref<819200x128xf32, #tpu.memory_space<hbm>> -> memref<64x128xf32, #tpu.memory_space<hbm>>
    %dma_start3A_47 = arith.constant 0 : i32
    %dma_start3A_48 = tpu.memref_slice %arg4[%add3A_44, %dma_start3A_47] : memref<819200x128xf32, #tpu.memory_space<hbm>> -> memref<64x128xf32, #tpu.memory_space<hbm>>
    tpu.enqueue_dma source(%arg7 : memref<64x128xf32, #tpu.memory_space<vmem>>) target(%dma_start3A_48 : memref<64x128xf32, #tpu.memory_space<hbm>>) target_semaphore(%arg23 : memref<!tpu.dma_semaphore, #tpu.memory_space<semaphore_mem>>)
    %dma_start3A_49 = arith.constant 448 : i32
    %dma_start3A_50 = tpu.memref_slice %arg5[%dma_start3A_49] : memref<25600xi32, #tpu.memory_space<vmem>> -> memref<64xi32, #tpu.memory_space<vmem>>
    %dma_start3A_51 = arith.constant 0 : i32
    %dma_start3A_52 = arith.constant 0 : i32
    %dma_start3A_53 = tpu.memref_slice %arg6[%dma_start3A_51, %dma_start3A_52] : memref<512x128xf32, #tpu.memory_space<vmem_shared>> -> memref<512x128xf32, #tpu.memory_space<vmem_shared>>
    tpu.enqueue_indirect_dma source(%dma_start3A_53 : memref<512x128xf32, #tpu.memory_space<vmem_shared>>) target(%arg14 : memref<64x128xf32, #tpu.memory_space<vmem>>) offsets(%dma_start3A_50 : memref<64xi32, #tpu.memory_space<vmem>>) semaphore(%arg22 : memref<!tpu.dma_semaphore, #tpu.memory_space<semaphore_mem>>)
    %scan3A = arith.constant 0 : i32
    %scan3A_54 = arith.constant 0 : i32
    %scan3A_55 = arith.constant 49 : i32
    %scan3A_56 = arith.addi %scan3A_54, %scan3A_55 : i32
    %scan3A_57 = arith.constant 1 : i32
    scf.for %scan3A_168 = %scan3A_54 to %scan3A_56 step %scan3A_57  : i32 {
      %mul3A_169 = arith.constant 8 : i32
      %mul3A_170 = arith.muli %mul3A_169, %scan3A_168 : i32
      %add3A_171 = arith.constant 1 : i32
      %add3A_172 = arith.addi %add3A_171, %mul3A_170 : i32
      %add3A_173 = arith.constant 0 : i32
      %add3A_174 = arith.addi %add3A_172, %add3A_173 : i32
      %dma_wait3A_175 = arith.constant 0 : i32
      %dma_wait3A_176 = tpu.memref_slice %arg4[%mul3A_2, %dma_wait3A_175] : memref<819200x128xf32, #tpu.memory_space<hbm>> -> memref<64x128xf32, #tpu.memory_space<hbm>>
      %dma_wait3A_177 = arith.constant 0 : i32
      %dma_wait3A_178 = tpu.memref_slice %arg4[%mul3A_2, %dma_wait3A_177] : memref<819200x128xf32, #tpu.memory_space<hbm>> -> memref<64x128xf32, #tpu.memory_space<hbm>>
      tpu.wait_dma2 semaphore(%arg23 : memref<!tpu.dma_semaphore, #tpu.memory_space<semaphore_mem>>) src(%arg7 : memref<64x128xf32, #tpu.memory_space<vmem>>) dst(%dma_wait3A_178 : memref<64x128xf32, #tpu.memory_space<hbm>>)
      %add3A_179 = arith.constant 8 : i32
      %add3A_180 = arith.addi %add3A_174, %add3A_179 : i32
      %sub3A = arith.constant 1 : i32
      %sub3A_181 = arith.subi %add3A_180, %sub3A : i32
      %mul3A_182 = arith.constant 64 : i32
      %mul3A_183 = arith.muli %sub3A_181, %mul3A_182 : i32
      %dma_start3A_184 = tpu.memref_slice %arg5[%mul3A_183] : memref<25600xi32, #tpu.memory_space<vmem>> -> memref<64xi32, #tpu.memory_space<vmem>>
      %dma_start3A_185 = arith.constant 0 : i32
      %dma_start3A_186 = arith.constant 0 : i32
      %dma_start3A_187 = tpu.memref_slice %arg6[%dma_start3A_185, %dma_start3A_186] : memref<512x128xf32, #tpu.memory_space<vmem_shared>> -> memref<512x128xf32, #tpu.memory_space<vmem_shared>>
      tpu.enqueue_indirect_dma source(%dma_start3A_187 : memref<512x128xf32, #tpu.memory_space<vmem_shared>>) target(%arg7 : memref<64x128xf32, #tpu.memory_space<vmem>>) offsets(%dma_start3A_184 : memref<64xi32, #tpu.memory_space<vmem>>) semaphore(%arg15 : memref<!tpu.dma_semaphore, #tpu.memory_space<semaphore_mem>>)
      %dma_wait3A_188 = arith.constant 0 : i32
      %dma_wait3A_189 = tpu.memref_slice %arg5[%dma_wait3A_188] : memref<25600xi32, #tpu.memory_space<vmem>> -> memref<64xi32, #tpu.memory_space<vmem>>
      %dma_wait3A_190 = arith.constant 0 : i32
      %dma_wait3A_191 = arith.constant 0 : i32
      %dma_wait3A_192 = tpu.memref_slice %arg6[%dma_wait3A_190, %dma_wait3A_191] : memref<512x128xf32, #tpu.memory_space<vmem_shared>> -> memref<512x128xf32, #tpu.memory_space<vmem_shared>>
      tpu.wait_indirect_dma semaphore(%arg16 : memref<!tpu.dma_semaphore, #tpu.memory_space<semaphore_mem>>) src(%dma_wait3A_192 : memref<512x128xf32, #tpu.memory_space<vmem_shared>>) dst(%arg8 : memref<64x128xf32, #tpu.memory_space<vmem>>)
      %mul3A_193 = arith.constant 64 : i32
      %mul3A_194 = arith.muli %add3A_174, %mul3A_193 : i32
      %add3A_195 = arith.addi %mul3A_2, %mul3A_194 : i32
      %dma_start3A_196 = arith.constant 0 : i32
      %dma_start3A_197 = tpu.memref_slice %arg4[%add3A_195, %dma_start3A_196] : memref<819200x128xf32, #tpu.memory_space<hbm>> -> memref<64x128xf32, #tpu.memory_space<hbm>>
      %dma_start3A_198 = arith.constant 0 : i32
      %dma_start3A_199 = tpu.memref_slice %arg4[%add3A_195, %dma_start3A_198] : memref<819200x128xf32, #tpu.memory_space<hbm>> -> memref<64x128xf32, #tpu.memory_space<hbm>>
      tpu.enqueue_dma source(%arg8 : memref<64x128xf32, #tpu.memory_space<vmem>>) target(%dma_start3A_199 : memref<64x128xf32, #tpu.memory_space<hbm>>) target_semaphore(%arg24 : memref<!tpu.dma_semaphore, #tpu.memory_space<semaphore_mem>>)
      %add3A_200 = arith.constant 1 : i32
      %add3A_201 = arith.addi %add3A_172, %add3A_200 : i32
      %dma_wait3A_202 = arith.constant 0 : i32
      %dma_wait3A_203 = tpu.memref_slice %arg4[%mul3A_2, %dma_wait3A_202] : memref<819200x128xf32, #tpu.memory_space<hbm>> -> memref<64x128xf32, #tpu.memory_space<hbm>>
      %dma_wait3A_204 = arith.constant 0 : i32
      %dma_wait3A_205 = tpu.memref_slice %arg4[%mul3A_2, %dma_wait3A_204] : memref<819200x128xf32, #tpu.memory_space<hbm>> -> memref<64x128xf32, #tpu.memory_space<hbm>>
      tpu.wait_dma2 semaphore(%arg24 : memref<!tpu.dma_semaphore, #tpu.memory_space<semaphore_mem>>) src(%arg8 : memref<64x128xf32, #tpu.memory_space<vmem>>) dst(%dma_wait3A_205 : memref<64x128xf32, #tpu.memory_space<hbm>>)
      %add3A_206 = arith.constant 8 : i32
      %add3A_207 = arith.addi %add3A_201, %add3A_206 : i32
      %sub3A_208 = arith.constant 1 : i32
      %sub3A_209 = arith.subi %add3A_207, %sub3A_208 : i32
      %mul3A_210 = arith.constant 64 : i32
      %mul3A_211 = arith.muli %sub3A_209, %mul3A_210 : i32
      %dma_start3A_212 = tpu.memref_slice %arg5[%mul3A_211] : memref<25600xi32, #tpu.memory_space<vmem>> -> memref<64xi32, #tpu.memory_space<vmem>>
      %dma_start3A_213 = arith.constant 0 : i32
      %dma_start3A_214 = arith.constant 0 : i32
      %dma_start3A_215 = tpu.memref_slice %arg6[%dma_start3A_213, %dma_start3A_214] : memref<512x128xf32, #tpu.memory_space<vmem_shared>> -> memref<512x128xf32, #tpu.memory_space<vmem_shared>>
      tpu.enqueue_indirect_dma source(%dma_start3A_215 : memref<512x128xf32, #tpu.memory_space<vmem_shared>>) target(%arg8 : memref<64x128xf32, #tpu.memory_space<vmem>>) offsets(%dma_start3A_212 : memref<64xi32, #tpu.memory_space<vmem>>) semaphore(%arg16 : memref<!tpu.dma_semaphore, #tpu.memory_space<semaphore_mem>>)
      %dma_wait3A_216 = arith.constant 0 : i32
      %dma_wait3A_217 = tpu.memref_slice %arg5[%dma_wait3A_216] : memref<25600xi32, #tpu.memory_space<vmem>> -> memref<64xi32, #tpu.memory_space<vmem>>
      %dma_wait3A_218 = arith.constant 0 : i32
      %dma_wait3A_219 = arith.constant 0 : i32
      %dma_wait3A_220 = tpu.memref_slice %arg6[%dma_wait3A_218, %dma_wait3A_219] : memref<512x128xf32, #tpu.memory_space<vmem_shared>> -> memref<512x128xf32, #tpu.memory_space<vmem_shared>>
      tpu.wait_indirect_dma semaphore(%arg17 : memref<!tpu.dma_semaphore, #tpu.memory_space<semaphore_mem>>) src(%dma_wait3A_220 : memref<512x128xf32, #tpu.memory_space<vmem_shared>>) dst(%arg9 : memref<64x128xf32, #tpu.memory_space<vmem>>)
      %mul3A_221 = arith.constant 64 : i32
      %mul3A_222 = arith.muli %add3A_201, %mul3A_221 : i32
      %add3A_223 = arith.addi %mul3A_2, %mul3A_222 : i32
      %dma_start3A_224 = arith.constant 0 : i32
      %dma_start3A_225 = tpu.memref_slice %arg4[%add3A_223, %dma_start3A_224] : memref<819200x128xf32, #tpu.memory_space<hbm>> -> memref<64x128xf32, #tpu.memory_space<hbm>>
      %dma_start3A_226 = arith.constant 0 : i32
      %dma_start3A_227 = tpu.memref_slice %arg4[%add3A_223, %dma_start3A_226] : memref<819200x128xf32, #tpu.memory_space<hbm>> -> memref<64x128xf32, #tpu.memory_space<hbm>>
      tpu.enqueue_dma source(%arg9 : memref<64x128xf32, #tpu.memory_space<vmem>>) target(%dma_start3A_227 : memref<64x128xf32, #tpu.memory_space<hbm>>) target_semaphore(%arg25 : memref<!tpu.dma_semaphore, #tpu.memory_space<semaphore_mem>>)
      %add3A_228 = arith.constant 2 : i32
      %add3A_229 = arith.addi %add3A_172, %add3A_228 : i32
      %dma_wait3A_230 = arith.constant 0 : i32
      %dma_wait3A_231 = tpu.memref_slice %arg4[%mul3A_2, %dma_wait3A_230] : memref<819200x128xf32, #tpu.memory_space<hbm>> -> memref<64x128xf32, #tpu.memory_space<hbm>>
      %dma_wait3A_232 = arith.constant 0 : i32
      %dma_wait3A_233 = tpu.memref_slice %arg4[%mul3A_2, %dma_wait3A_232] : memref<819200x128xf32, #tpu.memory_space<hbm>> -> memref<64x128xf32, #tpu.memory_space<hbm>>
      tpu.wait_dma2 semaphore(%arg25 : memref<!tpu.dma_semaphore, #tpu.memory_space<semaphore_mem>>) src(%arg9 : memref<64x128xf32, #tpu.memory_space<vmem>>) dst(%dma_wait3A_233 : memref<64x128xf32, #tpu.memory_space<hbm>>)
      %add3A_234 = arith.constant 8 : i32
      %add3A_235 = arith.addi %add3A_229, %add3A_234 : i32
      %sub3A_236 = arith.constant 1 : i32
      %sub3A_237 = arith.subi %add3A_235, %sub3A_236 : i32
      %mul3A_238 = arith.constant 64 : i32
      %mul3A_239 = arith.muli %sub3A_237, %mul3A_238 : i32
      %dma_start3A_240 = tpu.memref_slice %arg5[%mul3A_239] : memref<25600xi32, #tpu.memory_space<vmem>> -> memref<64xi32, #tpu.memory_space<vmem>>
      %dma_start3A_241 = arith.constant 0 : i32
      %dma_start3A_242 = arith.constant 0 : i32
      %dma_start3A_243 = tpu.memref_slice %arg6[%dma_start3A_241, %dma_start3A_242] : memref<512x128xf32, #tpu.memory_space<vmem_shared>> -> memref<512x128xf32, #tpu.memory_space<vmem_shared>>
      tpu.enqueue_indirect_dma source(%dma_start3A_243 : memref<512x128xf32, #tpu.memory_space<vmem_shared>>) target(%arg9 : memref<64x128xf32, #tpu.memory_space<vmem>>) offsets(%dma_start3A_240 : memref<64xi32, #tpu.memory_space<vmem>>) semaphore(%arg17 : memref<!tpu.dma_semaphore, #tpu.memory_space<semaphore_mem>>)
      %dma_wait3A_244 = arith.constant 0 : i32
      %dma_wait3A_245 = tpu.memref_slice %arg5[%dma_wait3A_244] : memref<25600xi32, #tpu.memory_space<vmem>> -> memref<64xi32, #tpu.memory_space<vmem>>
      %dma_wait3A_246 = arith.constant 0 : i32
      %dma_wait3A_247 = arith.constant 0 : i32
      %dma_wait3A_248 = tpu.memref_slice %arg6[%dma_wait3A_246, %dma_wait3A_247] : memref<512x128xf32, #tpu.memory_space<vmem_shared>> -> memref<512x128xf32, #tpu.memory_space<vmem_shared>>
      tpu.wait_indirect_dma semaphore(%arg18 : memref<!tpu.dma_semaphore, #tpu.memory_space<semaphore_mem>>) src(%dma_wait3A_248 : memref<512x128xf32, #tpu.memory_space<vmem_shared>>) dst(%arg10 : memref<64x128xf32, #tpu.memory_space<vmem>>)
      %mul3A_249 = arith.constant 64 : i32
      %mul3A_250 = arith.muli %add3A_229, %mul3A_249 : i32
      %add3A_251 = arith.addi %mul3A_2, %mul3A_250 : i32
      %dma_start3A_252 = arith.constant 0 : i32
      %dma_start3A_253 = tpu.memref_slice %arg4[%add3A_251, %dma_start3A_252] : memref<819200x128xf32, #tpu.memory_space<hbm>> -> memref<64x128xf32, #tpu.memory_space<hbm>>
      %dma_start3A_254 = arith.constant 0 : i32
      %dma_start3A_255 = tpu.memref_slice %arg4[%add3A_251, %dma_start3A_254] : memref<819200x128xf32, #tpu.memory_space<hbm>> -> memref<64x128xf32, #tpu.memory_space<hbm>>
      tpu.enqueue_dma source(%arg10 : memref<64x128xf32, #tpu.memory_space<vmem>>) target(%dma_start3A_255 : memref<64x128xf32, #tpu.memory_space<hbm>>) target_semaphore(%arg26 : memref<!tpu.dma_semaphore, #tpu.memory_space<semaphore_mem>>)
      %add3A_256 = arith.constant 3 : i32
      %add3A_257 = arith.addi %add3A_172, %add3A_256 : i32
      %dma_wait3A_258 = arith.constant 0 : i32
      %dma_wait3A_259 = tpu.memref_slice %arg4[%mul3A_2, %dma_wait3A_258] : memref<819200x128xf32, #tpu.memory_space<hbm>> -> memref<64x128xf32, #tpu.memory_space<hbm>>
      %dma_wait3A_260 = arith.constant 0 : i32
      %dma_wait3A_261 = tpu.memref_slice %arg4[%mul3A_2, %dma_wait3A_260] : memref<819200x128xf32, #tpu.memory_space<hbm>> -> memref<64x128xf32, #tpu.memory_space<hbm>>
      tpu.wait_dma2 semaphore(%arg26 : memref<!tpu.dma_semaphore, #tpu.memory_space<semaphore_mem>>) src(%arg10 : memref<64x128xf32, #tpu.memory_space<vmem>>) dst(%dma_wait3A_261 : memref<64x128xf32, #tpu.memory_space<hbm>>)
      %add3A_262 = arith.constant 8 : i32
      %add3A_263 = arith.addi %add3A_257, %add3A_262 : i32
      %sub3A_264 = arith.constant 1 : i32
      %sub3A_265 = arith.subi %add3A_263, %sub3A_264 : i32
      %mul3A_266 = arith.constant 64 : i32
      %mul3A_267 = arith.muli %sub3A_265, %mul3A_266 : i32
      %dma_start3A_268 = tpu.memref_slice %arg5[%mul3A_267] : memref<25600xi32, #tpu.memory_space<vmem>> -> memref<64xi32, #tpu.memory_space<vmem>>
      %dma_start3A_269 = arith.constant 0 : i32
      %dma_start3A_270 = arith.constant 0 : i32
      %dma_start3A_271 = tpu.memref_slice %arg6[%dma_start3A_269, %dma_start3A_270] : memref<512x128xf32, #tpu.memory_space<vmem_shared>> -> memref<512x128xf32, #tpu.memory_space<vmem_shared>>
      tpu.enqueue_indirect_dma source(%dma_start3A_271 : memref<512x128xf32, #tpu.memory_space<vmem_shared>>) target(%arg10 : memref<64x128xf32, #tpu.memory_space<vmem>>) offsets(%dma_start3A_268 : memref<64xi32, #tpu.memory_space<vmem>>) semaphore(%arg18 : memref<!tpu.dma_semaphore, #tpu.memory_space<semaphore_mem>>)
      %dma_wait3A_272 = arith.constant 0 : i32
      %dma_wait3A_273 = tpu.memref_slice %arg5[%dma_wait3A_272] : memref<25600xi32, #tpu.memory_space<vmem>> -> memref<64xi32, #tpu.memory_space<vmem>>
      %dma_wait3A_274 = arith.constant 0 : i32
      %dma_wait3A_275 = arith.constant 0 : i32
      %dma_wait3A_276 = tpu.memref_slice %arg6[%dma_wait3A_274, %dma_wait3A_275] : memref<512x128xf32, #tpu.memory_space<vmem_shared>> -> memref<512x128xf32, #tpu.memory_space<vmem_shared>>
      tpu.wait_indirect_dma semaphore(%arg19 : memref<!tpu.dma_semaphore, #tpu.memory_space<semaphore_mem>>) src(%dma_wait3A_276 : memref<512x128xf32, #tpu.memory_space<vmem_shared>>) dst(%arg11 : memref<64x128xf32, #tpu.memory_space<vmem>>)
      %mul3A_277 = arith.constant 64 : i32
      %mul3A_278 = arith.muli %add3A_257, %mul3A_277 : i32
      %add3A_279 = arith.addi %mul3A_2, %mul3A_278 : i32
      %dma_start3A_280 = arith.constant 0 : i32
      %dma_start3A_281 = tpu.memref_slice %arg4[%add3A_279, %dma_start3A_280] : memref<819200x128xf32, #tpu.memory_space<hbm>> -> memref<64x128xf32, #tpu.memory_space<hbm>>
      %dma_start3A_282 = arith.constant 0 : i32
      %dma_start3A_283 = tpu.memref_slice %arg4[%add3A_279, %dma_start3A_282] : memref<819200x128xf32, #tpu.memory_space<hbm>> -> memref<64x128xf32, #tpu.memory_space<hbm>>
      tpu.enqueue_dma source(%arg11 : memref<64x128xf32, #tpu.memory_space<vmem>>) target(%dma_start3A_283 : memref<64x128xf32, #tpu.memory_space<hbm>>) target_semaphore(%arg27 : memref<!tpu.dma_semaphore, #tpu.memory_space<semaphore_mem>>)
      %add3A_284 = arith.constant 4 : i32
      %add3A_285 = arith.addi %add3A_172, %add3A_284 : i32
      %dma_wait3A_286 = arith.constant 0 : i32
      %dma_wait3A_287 = tpu.memref_slice %arg4[%mul3A_2, %dma_wait3A_286] : memref<819200x128xf32, #tpu.memory_space<hbm>> -> memref<64x128xf32, #tpu.memory_space<hbm>>
      %dma_wait3A_288 = arith.constant 0 : i32
      %dma_wait3A_289 = tpu.memref_slice %arg4[%mul3A_2, %dma_wait3A_288] : memref<819200x128xf32, #tpu.memory_space<hbm>> -> memref<64x128xf32, #tpu.memory_space<hbm>>
      tpu.wait_dma2 semaphore(%arg27 : memref<!tpu.dma_semaphore, #tpu.memory_space<semaphore_mem>>) src(%arg11 : memref<64x128xf32, #tpu.memory_space<vmem>>) dst(%dma_wait3A_289 : memref<64x128xf32, #tpu.memory_space<hbm>>)
      %add3A_290 = arith.constant 8 : i32
      %add3A_291 = arith.addi %add3A_285, %add3A_290 : i32
      %sub3A_292 = arith.constant 1 : i32
      %sub3A_293 = arith.subi %add3A_291, %sub3A_292 : i32
      %mul3A_294 = arith.constant 64 : i32
      %mul3A_295 = arith.muli %sub3A_293, %mul3A_294 : i32
      %dma_start3A_296 = tpu.memref_slice %arg5[%mul3A_295] : memref<25600xi32, #tpu.memory_space<vmem>> -> memref<64xi32, #tpu.memory_space<vmem>>
      %dma_start3A_297 = arith.constant 0 : i32
      %dma_start3A_298 = arith.constant 0 : i32
      %dma_start3A_299 = tpu.memref_slice %arg6[%dma_start3A_297, %dma_start3A_298] : memref<512x128xf32, #tpu.memory_space<vmem_shared>> -> memref<512x128xf32, #tpu.memory_space<vmem_shared>>
      tpu.enqueue_indirect_dma source(%dma_start3A_299 : memref<512x128xf32, #tpu.memory_space<vmem_shared>>) target(%arg11 : memref<64x128xf32, #tpu.memory_space<vmem>>) offsets(%dma_start3A_296 : memref<64xi32, #tpu.memory_space<vmem>>) semaphore(%arg19 : memref<!tpu.dma_semaphore, #tpu.memory_space<semaphore_mem>>)
      %dma_wait3A_300 = arith.constant 0 : i32
      %dma_wait3A_301 = tpu.memref_slice %arg5[%dma_wait3A_300] : memref<25600xi32, #tpu.memory_space<vmem>> -> memref<64xi32, #tpu.memory_space<vmem>>
      %dma_wait3A_302 = arith.constant 0 : i32
      %dma_wait3A_303 = arith.constant 0 : i32
      %dma_wait3A_304 = tpu.memref_slice %arg6[%dma_wait3A_302, %dma_wait3A_303] : memref<512x128xf32, #tpu.memory_space<vmem_shared>> -> memref<512x128xf32, #tpu.memory_space<vmem_shared>>
      tpu.wait_indirect_dma semaphore(%arg20 : memref<!tpu.dma_semaphore, #tpu.memory_space<semaphore_mem>>) src(%dma_wait3A_304 : memref<512x128xf32, #tpu.memory_space<vmem_shared>>) dst(%arg12 : memref<64x128xf32, #tpu.memory_space<vmem>>)
      %mul3A_305 = arith.constant 64 : i32
      %mul3A_306 = arith.muli %add3A_285, %mul3A_305 : i32
      %add3A_307 = arith.addi %mul3A_2, %mul3A_306 : i32
      %dma_start3A_308 = arith.constant 0 : i32
      %dma_start3A_309 = tpu.memref_slice %arg4[%add3A_307, %dma_start3A_308] : memref<819200x128xf32, #tpu.memory_space<hbm>> -> memref<64x128xf32, #tpu.memory_space<hbm>>
      %dma_start3A_310 = arith.constant 0 : i32
      %dma_start3A_311 = tpu.memref_slice %arg4[%add3A_307, %dma_start3A_310] : memref<819200x128xf32, #tpu.memory_space<hbm>> -> memref<64x128xf32, #tpu.memory_space<hbm>>
      tpu.enqueue_dma source(%arg12 : memref<64x128xf32, #tpu.memory_space<vmem>>) target(%dma_start3A_311 : memref<64x128xf32, #tpu.memory_space<hbm>>) target_semaphore(%arg28 : memref<!tpu.dma_semaphore, #tpu.memory_space<semaphore_mem>>)
      %add3A_312 = arith.constant 5 : i32
      %add3A_313 = arith.addi %add3A_172, %add3A_312 : i32
      %dma_wait3A_314 = arith.constant 0 : i32
      %dma_wait3A_315 = tpu.memref_slice %arg4[%mul3A_2, %dma_wait3A_314] : memref<819200x128xf32, #tpu.memory_space<hbm>> -> memref<64x128xf32, #tpu.memory_space<hbm>>
      %dma_wait3A_316 = arith.constant 0 : i32
      %dma_wait3A_317 = tpu.memref_slice %arg4[%mul3A_2, %dma_wait3A_316] : memref<819200x128xf32, #tpu.memory_space<hbm>> -> memref<64x128xf32, #tpu.memory_space<hbm>>
      tpu.wait_dma2 semaphore(%arg28 : memref<!tpu.dma_semaphore, #tpu.memory_space<semaphore_mem>>) src(%arg12 : memref<64x128xf32, #tpu.memory_space<vmem>>) dst(%dma_wait3A_317 : memref<64x128xf32, #tpu.memory_space<hbm>>)
      %add3A_318 = arith.constant 8 : i32
      %add3A_319 = arith.addi %add3A_313, %add3A_318 : i32
      %sub3A_320 = arith.constant 1 : i32
      %sub3A_321 = arith.subi %add3A_319, %sub3A_320 : i32
      %mul3A_322 = arith.constant 64 : i32
      %mul3A_323 = arith.muli %sub3A_321, %mul3A_322 : i32
      %dma_start3A_324 = tpu.memref_slice %arg5[%mul3A_323] : memref<25600xi32, #tpu.memory_space<vmem>> -> memref<64xi32, #tpu.memory_space<vmem>>
      %dma_start3A_325 = arith.constant 0 : i32
      %dma_start3A_326 = arith.constant 0 : i32
      %dma_start3A_327 = tpu.memref_slice %arg6[%dma_start3A_325, %dma_start3A_326] : memref<512x128xf32, #tpu.memory_space<vmem_shared>> -> memref<512x128xf32, #tpu.memory_space<vmem_shared>>
      tpu.enqueue_indirect_dma source(%dma_start3A_327 : memref<512x128xf32, #tpu.memory_space<vmem_shared>>) target(%arg12 : memref<64x128xf32, #tpu.memory_space<vmem>>) offsets(%dma_start3A_324 : memref<64xi32, #tpu.memory_space<vmem>>) semaphore(%arg20 : memref<!tpu.dma_semaphore, #tpu.memory_space<semaphore_mem>>)
      %dma_wait3A_328 = arith.constant 0 : i32
      %dma_wait3A_329 = tpu.memref_slice %arg5[%dma_wait3A_328] : memref<25600xi32, #tpu.memory_space<vmem>> -> memref<64xi32, #tpu.memory_space<vmem>>
      %dma_wait3A_330 = arith.constant 0 : i32
      %dma_wait3A_331 = arith.constant 0 : i32
      %dma_wait3A_332 = tpu.memref_slice %arg6[%dma_wait3A_330, %dma_wait3A_331] : memref<512x128xf32, #tpu.memory_space<vmem_shared>> -> memref<512x128xf32, #tpu.memory_space<vmem_shared>>
      tpu.wait_indirect_dma semaphore(%arg21 : memref<!tpu.dma_semaphore, #tpu.memory_space<semaphore_mem>>) src(%dma_wait3A_332 : memref<512x128xf32, #tpu.memory_space<vmem_shared>>) dst(%arg13 : memref<64x128xf32, #tpu.memory_space<vmem>>)
      %mul3A_333 = arith.constant 64 : i32
      %mul3A_334 = arith.muli %add3A_313, %mul3A_333 : i32
      %add3A_335 = arith.addi %mul3A_2, %mul3A_334 : i32
      %dma_start3A_336 = arith.constant 0 : i32
      %dma_start3A_337 = tpu.memref_slice %arg4[%add3A_335, %dma_start3A_336] : memref<819200x128xf32, #tpu.memory_space<hbm>> -> memref<64x128xf32, #tpu.memory_space<hbm>>
      %dma_start3A_338 = arith.constant 0 : i32
      %dma_start3A_339 = tpu.memref_slice %arg4[%add3A_335, %dma_start3A_338] : memref<819200x128xf32, #tpu.memory_space<hbm>> -> memref<64x128xf32, #tpu.memory_space<hbm>>
      tpu.enqueue_dma source(%arg13 : memref<64x128xf32, #tpu.memory_space<vmem>>) target(%dma_start3A_339 : memref<64x128xf32, #tpu.memory_space<hbm>>) target_semaphore(%arg29 : memref<!tpu.dma_semaphore, #tpu.memory_space<semaphore_mem>>)
      %add3A_340 = arith.constant 6 : i32
      %add3A_341 = arith.addi %add3A_172, %add3A_340 : i32
      %dma_wait3A_342 = arith.constant 0 : i32
      %dma_wait3A_343 = tpu.memref_slice %arg4[%mul3A_2, %dma_wait3A_342] : memref<819200x128xf32, #tpu.memory_space<hbm>> -> memref<64x128xf32, #tpu.memory_space<hbm>>
      %dma_wait3A_344 = arith.constant 0 : i32
      %dma_wait3A_345 = tpu.memref_slice %arg4[%mul3A_2, %dma_wait3A_344] : memref<819200x128xf32, #tpu.memory_space<hbm>> -> memref<64x128xf32, #tpu.memory_space<hbm>>
      tpu.wait_dma2 semaphore(%arg29 : memref<!tpu.dma_semaphore, #tpu.memory_space<semaphore_mem>>) src(%arg13 : memref<64x128xf32, #tpu.memory_space<vmem>>) dst(%dma_wait3A_345 : memref<64x128xf32, #tpu.memory_space<hbm>>)
      %add3A_346 = arith.constant 8 : i32
      %add3A_347 = arith.addi %add3A_341, %add3A_346 : i32
      %sub3A_348 = arith.constant 1 : i32
      %sub3A_349 = arith.subi %add3A_347, %sub3A_348 : i32
      %mul3A_350 = arith.constant 64 : i32
      %mul3A_351 = arith.muli %sub3A_349, %mul3A_350 : i32
      %dma_start3A_352 = tpu.memref_slice %arg5[%mul3A_351] : memref<25600xi32, #tpu.memory_space<vmem>> -> memref<64xi32, #tpu.memory_space<vmem>>
      %dma_start3A_353 = arith.constant 0 : i32
      %dma_start3A_354 = arith.constant 0 : i32
      %dma_start3A_355 = tpu.memref_slice %arg6[%dma_start3A_353, %dma_start3A_354] : memref<512x128xf32, #tpu.memory_space<vmem_shared>> -> memref<512x128xf32, #tpu.memory_space<vmem_shared>>
      tpu.enqueue_indirect_dma source(%dma_start3A_355 : memref<512x128xf32, #tpu.memory_space<vmem_shared>>) target(%arg13 : memref<64x128xf32, #tpu.memory_space<vmem>>) offsets(%dma_start3A_352 : memref<64xi32, #tpu.memory_space<vmem>>) semaphore(%arg21 : memref<!tpu.dma_semaphore, #tpu.memory_space<semaphore_mem>>)
      %dma_wait3A_356 = arith.constant 0 : i32
      %dma_wait3A_357 = tpu.memref_slice %arg5[%dma_wait3A_356] : memref<25600xi32, #tpu.memory_space<vmem>> -> memref<64xi32, #tpu.memory_space<vmem>>
      %dma_wait3A_358 = arith.constant 0 : i32
      %dma_wait3A_359 = arith.constant 0 : i32
      %dma_wait3A_360 = tpu.memref_slice %arg6[%dma_wait3A_358, %dma_wait3A_359] : memref<512x128xf32, #tpu.memory_space<vmem_shared>> -> memref<512x128xf32, #tpu.memory_space<vmem_shared>>
      tpu.wait_indirect_dma semaphore(%arg22 : memref<!tpu.dma_semaphore, #tpu.memory_space<semaphore_mem>>) src(%dma_wait3A_360 : memref<512x128xf32, #tpu.memory_space<vmem_shared>>) dst(%arg14 : memref<64x128xf32, #tpu.memory_space<vmem>>)
      %mul3A_361 = arith.constant 64 : i32
      %mul3A_362 = arith.muli %add3A_341, %mul3A_361 : i32
      %add3A_363 = arith.addi %mul3A_2, %mul3A_362 : i32
      %dma_start3A_364 = arith.constant 0 : i32
      %dma_start3A_365 = tpu.memref_slice %arg4[%add3A_363, %dma_start3A_364] : memref<819200x128xf32, #tpu.memory_space<hbm>> -> memref<64x128xf32, #tpu.memory_space<hbm>>
      %dma_start3A_366 = arith.constant 0 : i32
      %dma_start3A_367 = tpu.memref_slice %arg4[%add3A_363, %dma_start3A_366] : memref<819200x128xf32, #tpu.memory_space<hbm>> -> memref<64x128xf32, #tpu.memory_space<hbm>>
      tpu.enqueue_dma source(%arg14 : memref<64x128xf32, #tpu.memory_space<vmem>>) target(%dma_start3A_367 : memref<64x128xf32, #tpu.memory_space<hbm>>) target_semaphore(%arg30 : memref<!tpu.dma_semaphore, #tpu.memory_space<semaphore_mem>>)
      %add3A_368 = arith.constant 7 : i32
      %add3A_369 = arith.addi %add3A_172, %add3A_368 : i32
      %dma_wait3A_370 = arith.constant 0 : i32
      %dma_wait3A_371 = tpu.memref_slice %arg4[%mul3A_2, %dma_wait3A_370] : memref<819200x128xf32, #tpu.memory_space<hbm>> -> memref<64x128xf32, #tpu.memory_space<hbm>>
      %dma_wait3A_372 = arith.constant 0 : i32
      %dma_wait3A_373 = tpu.memref_slice %arg4[%mul3A_2, %dma_wait3A_372] : memref<819200x128xf32, #tpu.memory_space<hbm>> -> memref<64x128xf32, #tpu.memory_space<hbm>>
      tpu.wait_dma2 semaphore(%arg30 : memref<!tpu.dma_semaphore, #tpu.memory_space<semaphore_mem>>) src(%arg14 : memref<64x128xf32, #tpu.memory_space<vmem>>) dst(%dma_wait3A_373 : memref<64x128xf32, #tpu.memory_space<hbm>>)
      %add3A_374 = arith.constant 8 : i32
      %add3A_375 = arith.addi %add3A_369, %add3A_374 : i32
      %sub3A_376 = arith.constant 1 : i32
      %sub3A_377 = arith.subi %add3A_375, %sub3A_376 : i32
      %mul3A_378 = arith.constant 64 : i32
      %mul3A_379 = arith.muli %sub3A_377, %mul3A_378 : i32
      %dma_start3A_380 = tpu.memref_slice %arg5[%mul3A_379] : memref<25600xi32, #tpu.memory_space<vmem>> -> memref<64xi32, #tpu.memory_space<vmem>>
      %dma_start3A_381 = arith.constant 0 : i32
      %dma_start3A_382 = arith.constant 0 : i32
      %dma_start3A_383 = tpu.memref_slice %arg6[%dma_start3A_381, %dma_start3A_382] : memref<512x128xf32, #tpu.memory_space<vmem_shared>> -> memref<512x128xf32, #tpu.memory_space<vmem_shared>>
      tpu.enqueue_indirect_dma source(%dma_start3A_383 : memref<512x128xf32, #tpu.memory_space<vmem_shared>>) target(%arg14 : memref<64x128xf32, #tpu.memory_space<vmem>>) offsets(%dma_start3A_380 : memref<64xi32, #tpu.memory_space<vmem>>) semaphore(%arg22 : memref<!tpu.dma_semaphore, #tpu.memory_space<semaphore_mem>>)
      %dma_wait3A_384 = arith.constant 0 : i32
      %dma_wait3A_385 = tpu.memref_slice %arg5[%dma_wait3A_384] : memref<25600xi32, #tpu.memory_space<vmem>> -> memref<64xi32, #tpu.memory_space<vmem>>
      %dma_wait3A_386 = arith.constant 0 : i32
      %dma_wait3A_387 = arith.constant 0 : i32
      %dma_wait3A_388 = tpu.memref_slice %arg6[%dma_wait3A_386, %dma_wait3A_387] : memref<512x128xf32, #tpu.memory_space<vmem_shared>> -> memref<512x128xf32, #tpu.memory_space<vmem_shared>>
      tpu.wait_indirect_dma semaphore(%arg15 : memref<!tpu.dma_semaphore, #tpu.memory_space<semaphore_mem>>) src(%dma_wait3A_388 : memref<512x128xf32, #tpu.memory_space<vmem_shared>>) dst(%arg7 : memref<64x128xf32, #tpu.memory_space<vmem>>)
      %mul3A_389 = arith.constant 64 : i32
      %mul3A_390 = arith.muli %add3A_369, %mul3A_389 : i32
      %add3A_391 = arith.addi %mul3A_2, %mul3A_390 : i32
      %dma_start3A_392 = arith.constant 0 : i32
      %dma_start3A_393 = tpu.memref_slice %arg4[%add3A_391, %dma_start3A_392] : memref<819200x128xf32, #tpu.memory_space<hbm>> -> memref<64x128xf32, #tpu.memory_space<hbm>>
      %dma_start3A_394 = arith.constant 0 : i32
      %dma_start3A_395 = tpu.memref_slice %arg4[%add3A_391, %dma_start3A_394] : memref<819200x128xf32, #tpu.memory_space<hbm>> -> memref<64x128xf32, #tpu.memory_space<hbm>>
      tpu.enqueue_dma source(%arg7 : memref<64x128xf32, #tpu.memory_space<vmem>>) target(%dma_start3A_395 : memref<64x128xf32, #tpu.memory_space<hbm>>) target_semaphore(%arg23 : memref<!tpu.dma_semaphore, #tpu.memory_space<semaphore_mem>>)
    }
    %scan3A_58 = arith.constant 49 : i32
    %dma_wait3A_59 = arith.constant 0 : i32
    %dma_wait3A_60 = tpu.memref_slice %arg5[%dma_wait3A_59] : memref<25600xi32, #tpu.memory_space<vmem>> -> memref<64xi32, #tpu.memory_space<vmem>>
    %dma_wait3A_61 = arith.constant 0 : i32
    %dma_wait3A_62 = arith.constant 0 : i32
    %dma_wait3A_63 = tpu.memref_slice %arg6[%dma_wait3A_61, %dma_wait3A_62] : memref<512x128xf32, #tpu.memory_space<vmem_shared>> -> memref<512x128xf32, #tpu.memory_space<vmem_shared>>
    tpu.wait_indirect_dma semaphore(%arg16 : memref<!tpu.dma_semaphore, #tpu.memory_space<semaphore_mem>>) src(%dma_wait3A_63 : memref<512x128xf32, #tpu.memory_space<vmem_shared>>) dst(%arg8 : memref<64x128xf32, #tpu.memory_space<vmem>>)
    %add3A_64 = arith.constant 25152 : i32
    %add3A_65 = arith.addi %mul3A_2, %add3A_64 : i32
    %dma_start3A_66 = arith.constant 0 : i32
    %dma_start3A_67 = tpu.memref_slice %arg4[%add3A_65, %dma_start3A_66] : memref<819200x128xf32, #tpu.memory_space<hbm>> -> memref<64x128xf32, #tpu.memory_space<hbm>>
    %dma_start3A_68 = arith.constant 0 : i32
    %dma_start3A_69 = tpu.memref_slice %arg4[%add3A_65, %dma_start3A_68] : memref<819200x128xf32, #tpu.memory_space<hbm>> -> memref<64x128xf32, #tpu.memory_space<hbm>>
    tpu.enqueue_dma source(%arg8 : memref<64x128xf32, #tpu.memory_space<vmem>>) target(%dma_start3A_69 : memref<64x128xf32, #tpu.memory_space<hbm>>) target_semaphore(%arg24 : memref<!tpu.dma_semaphore, #tpu.memory_space<semaphore_mem>>)
    %dma_wait3A_70 = arith.constant 0 : i32
    %dma_wait3A_71 = tpu.memref_slice %arg5[%dma_wait3A_70] : memref<25600xi32, #tpu.memory_space<vmem>> -> memref<64xi32, #tpu.memory_space<vmem>>
    %dma_wait3A_72 = arith.constant 0 : i32
    %dma_wait3A_73 = arith.constant 0 : i32
    %dma_wait3A_74 = tpu.memref_slice %arg6[%dma_wait3A_72, %dma_wait3A_73] : memref<512x128xf32, #tpu.memory_space<vmem_shared>> -> memref<512x128xf32, #tpu.memory_space<vmem_shared>>
    tpu.wait_indirect_dma semaphore(%arg17 : memref<!tpu.dma_semaphore, #tpu.memory_space<semaphore_mem>>) src(%dma_wait3A_74 : memref<512x128xf32, #tpu.memory_space<vmem_shared>>) dst(%arg9 : memref<64x128xf32, #tpu.memory_space<vmem>>)
    %add3A_75 = arith.constant 25216 : i32
    %add3A_76 = arith.addi %mul3A_2, %add3A_75 : i32
    %dma_start3A_77 = arith.constant 0 : i32
    %dma_start3A_78 = tpu.memref_slice %arg4[%add3A_76, %dma_start3A_77] : memref<819200x128xf32, #tpu.memory_space<hbm>> -> memref<64x128xf32, #tpu.memory_space<hbm>>
    %dma_start3A_79 = arith.constant 0 : i32
    %dma_start3A_80 = tpu.memref_slice %arg4[%add3A_76, %dma_start3A_79] : memref<819200x128xf32, #tpu.memory_space<hbm>> -> memref<64x128xf32, #tpu.memory_space<hbm>>
    tpu.enqueue_dma source(%arg9 : memref<64x128xf32, #tpu.memory_space<vmem>>) target(%dma_start3A_80 : memref<64x128xf32, #tpu.memory_space<hbm>>) target_semaphore(%arg25 : memref<!tpu.dma_semaphore, #tpu.memory_space<semaphore_mem>>)
    %dma_wait3A_81 = arith.constant 0 : i32
    %dma_wait3A_82 = tpu.memref_slice %arg5[%dma_wait3A_81] : memref<25600xi32, #tpu.memory_space<vmem>> -> memref<64xi32, #tpu.memory_space<vmem>>
    %dma_wait3A_83 = arith.constant 0 : i32
    %dma_wait3A_84 = arith.constant 0 : i32
    %dma_wait3A_85 = tpu.memref_slice %arg6[%dma_wait3A_83, %dma_wait3A_84] : memref<512x128xf32, #tpu.memory_space<vmem_shared>> -> memref<512x128xf32, #tpu.memory_space<vmem_shared>>
    tpu.wait_indirect_dma semaphore(%arg18 : memref<!tpu.dma_semaphore, #tpu.memory_space<semaphore_mem>>) src(%dma_wait3A_85 : memref<512x128xf32, #tpu.memory_space<vmem_shared>>) dst(%arg10 : memref<64x128xf32, #tpu.memory_space<vmem>>)
    %add3A_86 = arith.constant 25280 : i32
    %add3A_87 = arith.addi %mul3A_2, %add3A_86 : i32
    %dma_start3A_88 = arith.constant 0 : i32
    %dma_start3A_89 = tpu.memref_slice %arg4[%add3A_87, %dma_start3A_88] : memref<819200x128xf32, #tpu.memory_space<hbm>> -> memref<64x128xf32, #tpu.memory_space<hbm>>
    %dma_start3A_90 = arith.constant 0 : i32
    %dma_start3A_91 = tpu.memref_slice %arg4[%add3A_87, %dma_start3A_90] : memref<819200x128xf32, #tpu.memory_space<hbm>> -> memref<64x128xf32, #tpu.memory_space<hbm>>
    tpu.enqueue_dma source(%arg10 : memref<64x128xf32, #tpu.memory_space<vmem>>) target(%dma_start3A_91 : memref<64x128xf32, #tpu.memory_space<hbm>>) target_semaphore(%arg26 : memref<!tpu.dma_semaphore, #tpu.memory_space<semaphore_mem>>)
    %dma_wait3A_92 = arith.constant 0 : i32
    %dma_wait3A_93 = tpu.memref_slice %arg5[%dma_wait3A_92] : memref<25600xi32, #tpu.memory_space<vmem>> -> memref<64xi32, #tpu.memory_space<vmem>>
    %dma_wait3A_94 = arith.constant 0 : i32
    %dma_wait3A_95 = arith.constant 0 : i32
    %dma_wait3A_96 = tpu.memref_slice %arg6[%dma_wait3A_94, %dma_wait3A_95] : memref<512x128xf32, #tpu.memory_space<vmem_shared>> -> memref<512x128xf32, #tpu.memory_space<vmem_shared>>
    tpu.wait_indirect_dma semaphore(%arg19 : memref<!tpu.dma_semaphore, #tpu.memory_space<semaphore_mem>>) src(%dma_wait3A_96 : memref<512x128xf32, #tpu.memory_space<vmem_shared>>) dst(%arg11 : memref<64x128xf32, #tpu.memory_space<vmem>>)
    %add3A_97 = arith.constant 25344 : i32
    %add3A_98 = arith.addi %mul3A_2, %add3A_97 : i32
    %dma_start3A_99 = arith.constant 0 : i32
    %dma_start3A_100 = tpu.memref_slice %arg4[%add3A_98, %dma_start3A_99] : memref<819200x128xf32, #tpu.memory_space<hbm>> -> memref<64x128xf32, #tpu.memory_space<hbm>>
    %dma_start3A_101 = arith.constant 0 : i32
    %dma_start3A_102 = tpu.memref_slice %arg4[%add3A_98, %dma_start3A_101] : memref<819200x128xf32, #tpu.memory_space<hbm>> -> memref<64x128xf32, #tpu.memory_space<hbm>>
    tpu.enqueue_dma source(%arg11 : memref<64x128xf32, #tpu.memory_space<vmem>>) target(%dma_start3A_102 : memref<64x128xf32, #tpu.memory_space<hbm>>) target_semaphore(%arg27 : memref<!tpu.dma_semaphore, #tpu.memory_space<semaphore_mem>>)
    %dma_wait3A_103 = arith.constant 0 : i32
    %dma_wait3A_104 = tpu.memref_slice %arg5[%dma_wait3A_103] : memref<25600xi32, #tpu.memory_space<vmem>> -> memref<64xi32, #tpu.memory_space<vmem>>
    %dma_wait3A_105 = arith.constant 0 : i32
    %dma_wait3A_106 = arith.constant 0 : i32
    %dma_wait3A_107 = tpu.memref_slice %arg6[%dma_wait3A_105, %dma_wait3A_106] : memref<512x128xf32, #tpu.memory_space<vmem_shared>> -> memref<512x128xf32, #tpu.memory_space<vmem_shared>>
    tpu.wait_indirect_dma semaphore(%arg20 : memref<!tpu.dma_semaphore, #tpu.memory_space<semaphore_mem>>) src(%dma_wait3A_107 : memref<512x128xf32, #tpu.memory_space<vmem_shared>>) dst(%arg12 : memref<64x128xf32, #tpu.memory_space<vmem>>)
    %add3A_108 = arith.constant 25408 : i32
    %add3A_109 = arith.addi %mul3A_2, %add3A_108 : i32
    %dma_start3A_110 = arith.constant 0 : i32
    %dma_start3A_111 = tpu.memref_slice %arg4[%add3A_109, %dma_start3A_110] : memref<819200x128xf32, #tpu.memory_space<hbm>> -> memref<64x128xf32, #tpu.memory_space<hbm>>
    %dma_start3A_112 = arith.constant 0 : i32
    %dma_start3A_113 = tpu.memref_slice %arg4[%add3A_109, %dma_start3A_112] : memref<819200x128xf32, #tpu.memory_space<hbm>> -> memref<64x128xf32, #tpu.memory_space<hbm>>
    tpu.enqueue_dma source(%arg12 : memref<64x128xf32, #tpu.memory_space<vmem>>) target(%dma_start3A_113 : memref<64x128xf32, #tpu.memory_space<hbm>>) target_semaphore(%arg28 : memref<!tpu.dma_semaphore, #tpu.memory_space<semaphore_mem>>)
    %dma_wait3A_114 = arith.constant 0 : i32
    %dma_wait3A_115 = tpu.memref_slice %arg5[%dma_wait3A_114] : memref<25600xi32, #tpu.memory_space<vmem>> -> memref<64xi32, #tpu.memory_space<vmem>>
    %dma_wait3A_116 = arith.constant 0 : i32
    %dma_wait3A_117 = arith.constant 0 : i32
    %dma_wait3A_118 = tpu.memref_slice %arg6[%dma_wait3A_116, %dma_wait3A_117] : memref<512x128xf32, #tpu.memory_space<vmem_shared>> -> memref<512x128xf32, #tpu.memory_space<vmem_shared>>
    tpu.wait_indirect_dma semaphore(%arg21 : memref<!tpu.dma_semaphore, #tpu.memory_space<semaphore_mem>>) src(%dma_wait3A_118 : memref<512x128xf32, #tpu.memory_space<vmem_shared>>) dst(%arg13 : memref<64x128xf32, #tpu.memory_space<vmem>>)
    %add3A_119 = arith.constant 25472 : i32
    %add3A_120 = arith.addi %mul3A_2, %add3A_119 : i32
    %dma_start3A_121 = arith.constant 0 : i32
    %dma_start3A_122 = tpu.memref_slice %arg4[%add3A_120, %dma_start3A_121] : memref<819200x128xf32, #tpu.memory_space<hbm>> -> memref<64x128xf32, #tpu.memory_space<hbm>>
    %dma_start3A_123 = arith.constant 0 : i32
    %dma_start3A_124 = tpu.memref_slice %arg4[%add3A_120, %dma_start3A_123] : memref<819200x128xf32, #tpu.memory_space<hbm>> -> memref<64x128xf32, #tpu.memory_space<hbm>>
    tpu.enqueue_dma source(%arg13 : memref<64x128xf32, #tpu.memory_space<vmem>>) target(%dma_start3A_124 : memref<64x128xf32, #tpu.memory_space<hbm>>) target_semaphore(%arg29 : memref<!tpu.dma_semaphore, #tpu.memory_space<semaphore_mem>>)
    %dma_wait3A_125 = arith.constant 0 : i32
    %dma_wait3A_126 = tpu.memref_slice %arg5[%dma_wait3A_125] : memref<25600xi32, #tpu.memory_space<vmem>> -> memref<64xi32, #tpu.memory_space<vmem>>
    %dma_wait3A_127 = arith.constant 0 : i32
    %dma_wait3A_128 = arith.constant 0 : i32
    %dma_wait3A_129 = tpu.memref_slice %arg6[%dma_wait3A_127, %dma_wait3A_128] : memref<512x128xf32, #tpu.memory_space<vmem_shared>> -> memref<512x128xf32, #tpu.memory_space<vmem_shared>>
    tpu.wait_indirect_dma semaphore(%arg22 : memref<!tpu.dma_semaphore, #tpu.memory_space<semaphore_mem>>) src(%dma_wait3A_129 : memref<512x128xf32, #tpu.memory_space<vmem_shared>>) dst(%arg14 : memref<64x128xf32, #tpu.memory_space<vmem>>)
    %add3A_130 = arith.constant 25536 : i32
    %add3A_131 = arith.addi %mul3A_2, %add3A_130 : i32
    %dma_start3A_132 = arith.constant 0 : i32
    %dma_start3A_133 = tpu.memref_slice %arg4[%add3A_131, %dma_start3A_132] : memref<819200x128xf32, #tpu.memory_space<hbm>> -> memref<64x128xf32, #tpu.memory_space<hbm>>
    %dma_start3A_134 = arith.constant 0 : i32
    %dma_start3A_135 = tpu.memref_slice %arg4[%add3A_131, %dma_start3A_134] : memref<819200x128xf32, #tpu.memory_space<hbm>> -> memref<64x128xf32, #tpu.memory_space<hbm>>
    tpu.enqueue_dma source(%arg14 : memref<64x128xf32, #tpu.memory_space<vmem>>) target(%dma_start3A_135 : memref<64x128xf32, #tpu.memory_space<hbm>>) target_semaphore(%arg30 : memref<!tpu.dma_semaphore, #tpu.memory_space<semaphore_mem>>)
    %dma_wait3A_136 = arith.constant 0 : i32
    %dma_wait3A_137 = tpu.memref_slice %arg4[%mul3A_2, %dma_wait3A_136] : memref<819200x128xf32, #tpu.memory_space<hbm>> -> memref<64x128xf32, #tpu.memory_space<hbm>>
    %dma_wait3A_138 = arith.constant 0 : i32
    %dma_wait3A_139 = tpu.memref_slice %arg4[%mul3A_2, %dma_wait3A_138] : memref<819200x128xf32, #tpu.memory_space<hbm>> -> memref<64x128xf32, #tpu.memory_space<hbm>>
    tpu.wait_dma2 semaphore(%arg23 : memref<!tpu.dma_semaphore, #tpu.memory_space<semaphore_mem>>) src(%arg7 : memref<64x128xf32, #tpu.memory_space<vmem>>) dst(%dma_wait3A_139 : memref<64x128xf32, #tpu.memory_space<hbm>>)
    %dma_wait3A_140 = arith.constant 0 : i32
    %dma_wait3A_141 = tpu.memref_slice %arg4[%mul3A_2, %dma_wait3A_140] : memref<819200x128xf32, #tpu.memory_space<hbm>> -> memref<64x128xf32, #tpu.memory_space<hbm>>
    %dma_wait3A_142 = arith.constant 0 : i32
    %dma_wait3A_143 = tpu.memref_slice %arg4[%mul3A_2, %dma_wait3A_142] : memref<819200x128xf32, #tpu.memory_space<hbm>> -> memref<64x128xf32, #tpu.memory_space<hbm>>
    tpu.wait_dma2 semaphore(%arg24 : memref<!tpu.dma_semaphore, #tpu.memory_space<semaphore_mem>>) src(%arg8 : memref<64x128xf32, #tpu.memory_space<vmem>>) dst(%dma_wait3A_143 : memref<64x128xf32, #tpu.memory_space<hbm>>)
    %dma_wait3A_144 = arith.constant 0 : i32
    %dma_wait3A_145 = tpu.memref_slice %arg4[%mul3A_2, %dma_wait3A_144] : memref<819200x128xf32, #tpu.memory_space<hbm>> -> memref<64x128xf32, #tpu.memory_space<hbm>>
    %dma_wait3A_146 = arith.constant 0 : i32
    %dma_wait3A_147 = tpu.memref_slice %arg4[%mul3A_2, %dma_wait3A_146] : memref<819200x128xf32, #tpu.memory_space<hbm>> -> memref<64x128xf32, #tpu.memory_space<hbm>>
    tpu.wait_dma2 semaphore(%arg25 : memref<!tpu.dma_semaphore, #tpu.memory_space<semaphore_mem>>) src(%arg9 : memref<64x128xf32, #tpu.memory_space<vmem>>) dst(%dma_wait3A_147 : memref<64x128xf32, #tpu.memory_space<hbm>>)
    %dma_wait3A_148 = arith.constant 0 : i32
    %dma_wait3A_149 = tpu.memref_slice %arg4[%mul3A_2, %dma_wait3A_148] : memref<819200x128xf32, #tpu.memory_space<hbm>> -> memref<64x128xf32, #tpu.memory_space<hbm>>
    %dma_wait3A_150 = arith.constant 0 : i32
    %dma_wait3A_151 = tpu.memref_slice %arg4[%mul3A_2, %dma_wait3A_150] : memref<819200x128xf32, #tpu.memory_space<hbm>> -> memref<64x128xf32, #tpu.memory_space<hbm>>
    tpu.wait_dma2 semaphore(%arg26 : memref<!tpu.dma_semaphore, #tpu.memory_space<semaphore_mem>>) src(%arg10 : memref<64x128xf32, #tpu.memory_space<vmem>>) dst(%dma_wait3A_151 : memref<64x128xf32, #tpu.memory_space<hbm>>)
    %dma_wait3A_152 = arith.constant 0 : i32
    %dma_wait3A_153 = tpu.memref_slice %arg4[%mul3A_2, %dma_wait3A_152] : memref<819200x128xf32, #tpu.memory_space<hbm>> -> memref<64x128xf32, #tpu.memory_space<hbm>>
    %dma_wait3A_154 = arith.constant 0 : i32
    %dma_wait3A_155 = tpu.memref_slice %arg4[%mul3A_2, %dma_wait3A_154] : memref<819200x128xf32, #tpu.memory_space<hbm>> -> memref<64x128xf32, #tpu.memory_space<hbm>>
    tpu.wait_dma2 semaphore(%arg27 : memref<!tpu.dma_semaphore, #tpu.memory_space<semaphore_mem>>) src(%arg11 : memref<64x128xf32, #tpu.memory_space<vmem>>) dst(%dma_wait3A_155 : memref<64x128xf32, #tpu.memory_space<hbm>>)
    %dma_wait3A_156 = arith.constant 0 : i32
    %dma_wait3A_157 = tpu.memref_slice %arg4[%mul3A_2, %dma_wait3A_156] : memref<819200x128xf32, #tpu.memory_space<hbm>> -> memref<64x128xf32, #tpu.memory_space<hbm>>
    %dma_wait3A_158 = arith.constant 0 : i32
    %dma_wait3A_159 = tpu.memref_slice %arg4[%mul3A_2, %dma_wait3A_158] : memref<819200x128xf32, #tpu.memory_space<hbm>> -> memref<64x128xf32, #tpu.memory_space<hbm>>
    tpu.wait_dma2 semaphore(%arg28 : memref<!tpu.dma_semaphore, #tpu.memory_space<semaphore_mem>>) src(%arg12 : memref<64x128xf32, #tpu.memory_space<vmem>>) dst(%dma_wait3A_159 : memref<64x128xf32, #tpu.memory_space<hbm>>)
    %dma_wait3A_160 = arith.constant 0 : i32
    %dma_wait3A_161 = tpu.memref_slice %arg4[%mul3A_2, %dma_wait3A_160] : memref<819200x128xf32, #tpu.memory_space<hbm>> -> memref<64x128xf32, #tpu.memory_space<hbm>>
    %dma_wait3A_162 = arith.constant 0 : i32
    %dma_wait3A_163 = tpu.memref_slice %arg4[%mul3A_2, %dma_wait3A_162] : memref<819200x128xf32, #tpu.memory_space<hbm>> -> memref<64x128xf32, #tpu.memory_space<hbm>>
    tpu.wait_dma2 semaphore(%arg29 : memref<!tpu.dma_semaphore, #tpu.memory_space<semaphore_mem>>) src(%arg13 : memref<64x128xf32, #tpu.memory_space<vmem>>) dst(%dma_wait3A_163 : memref<64x128xf32, #tpu.memory_space<hbm>>)
    %dma_wait3A_164 = arith.constant 0 : i32
    %dma_wait3A_165 = tpu.memref_slice %arg4[%mul3A_2, %dma_wait3A_164] : memref<819200x128xf32, #tpu.memory_space<hbm>> -> memref<64x128xf32, #tpu.memory_space<hbm>>
    %dma_wait3A_166 = arith.constant 0 : i32
    %dma_wait3A_167 = tpu.memref_slice %arg4[%mul3A_2, %dma_wait3A_166] : memref<819200x128xf32, #tpu.memory_space<hbm>> -> memref<64x128xf32, #tpu.memory_space<hbm>>
    tpu.wait_dma2 semaphore(%arg30 : memref<!tpu.dma_semaphore, #tpu.memory_space<semaphore_mem>>) src(%arg14 : memref<64x128xf32, #tpu.memory_space<vmem>>) dst(%dma_wait3A_167 : memref<64x128xf32, #tpu.memory_space<hbm>>)
    return
  }
}

</mosaic_0001>

<sc_bundles>
// kernel: kernel.3.cloned.1.call-start
scs
__scs_entry_jumppad:
0x0: {  	(pc) =	sbr.rel $0x88, $3  }
0x1: {  	(tag) =	ssettag $0x0;
	lr =	simm.s32 $0x1  }
0x2: {  	[smem:$0x3F9F] =	sst lr;
	_ =	strace $0xD0000000  }
0x3: {  	_ = 	snop  }
0x4: {  	_ = 	snop  }
0x5: {  	_ = 	snop  }
0x6: {  	_ = 	snop  }
0x7: {  	_ = 	snop  }
__scs_overlays_trampoline_lowered:
0x8: {  	[smem:$0x3FAE] =	sst s0  }
0x9: {  	[smem:$0x3FAF] =	sst s1  }
0xa: {  	[smem:$0x3FB0] =	sst s2  }
0xb: {  	[smem:$0x3FB1] =	sst s3  }
0xc: {  	[smem:$0x3FB2] =	sst s4  }
0xd: {  	[smem:$0x3FB3] =	sst s5  }
0xe: {  	[smem:$0x3FB4] =	sst s6  }
0xf: {  	[smem:$0x3FB5] =	sst s7  }
0x10: {  	[smem:$0x3FB6] =	sst s8  }
0x11: {  	[smem:$0x3FB7] =	sst s9;
	s0 =	simm.s32 @!p0 $0x0  }
0x12: {  	s1 =	sld [smem:$0x3F9D];
	s0 =	simm.s32 @p0 $0x1  }
0x13: {  	[smem:$0x3FB8] =	sst s0;
	s0 =	simm.s32 @!p1 $0x0  }
0x14: {  	s2 =	sld [smem:$0x3F9C];
	s0 =	simm.s32 @p1 $0x1  }
0x15: {  	[smem:$0x3FB9] =	sst s0;
	s0 =	simm.s32 @!p2 $0x0  }
0x16: {  	s3 =	sld [smem:$0x3FDB];
	s0 =	simm.s32 @p2 $0x1  }
0x17: {  	s4 =	simm.s32 $0x1BF5;
	[smem:$0x3FBB] =	sst s0  }
0x18: {  	s0 =	sld [smem:$0x3F9E];
	_ =	swait.ge [sflag:s4], $0x0  }
0x19: {  	s7 =	sld [smem:$0x3F9F]  }
0x1a: {  	s8 =	sadd.s32 $0xFFFFE003, lr  }
0x1b: {  	s9 =	sadd.s32 $0xFFFFFEF7, lr;
	s5 =	simm.s32 $0xFFFFFFFF;
	p2 =	slt.u32 s8, $0xFFFFF086  }
0x1c: {  	p1 =	slt.u32 s9, $0xF7A;
	s5 =	simm.s32 @!p2 $0x0  }
0x1d: {  	s5 =	simm.s32 @p1 $0x1;
	p0 =	seq.s32 s7, s2  }
0x1e: {  	s7 =	smul.u32 @!p0 $0xF7A, s2;
	p2 =	seq.s32 @!p0 s5, $0x0  }
0x1f: {  	s9 =	smul.u32 $0xF7A, s1;
	s8 =	simm.s32 @!p0 $0x1BF5;
	p2 =	por !p2, p0  }
0x20: {  	[sflag:s8] =	ssyncset.s32 @!p0 $0xFFFFF086;
	s6 =	sadd.s32 @!p0 s3, s7;
	s7 =	simm.s32 @!p0 $0x108  }
0x21: {  	s3 =	sadd.s32 s3, s9;
	s6 =	sadd.s32 @!p0 $0x88, s6;
	s7 =	simm.s32 @p2 $0x1082  }
0x22: {  	[simem:s7], [sflag:s8] =	dma.local @!p0 [hbm:s6], $0xF7A  }
0x23: {  	s9 =	sor.u32 $0xD0000000, s2;
	s6 =	simm.s32 $0x108;
	_ =	swait.ge @!p0 [sflag:s8], $0x0  }
0x24: {  	s3 =	sadd.s32 $0x88, s3;
	s6 =	simm.s32 @!p1 $0x1082;
	[sflag:s4] =	ssyncset.s32 $0xFFFFF086  }
0x25: {  	[simem:s6], [sflag:s4] =	dma.local [hbm:s3], $0xF7A  }
0x26: {  	[smem:$0x3F9F] =	sst s1;
	(tag) =	ssettag s2;
	_ =	strace s9  }
0x27: {  	s1 =	sld [smem:$0x3FAF]  }
0x28: {  	s2 =	sld [smem:$0x3FB0]  }
0x29: {  	s4 =	sld [smem:$0x3FB2]  }
0x2a: {  	p0 =	seq.s32 s5, $0x0;
	s5 =	sld [smem:$0x3FB3]  }
0x2b: {  	s6 =	sld [smem:$0x3FB4]  }
0x2c: {  	s7 =	sld [smem:$0x3FB5]  }
0x2d: {  	s3 =	simm.s32 $0x108;
	s8 =	sld [smem:$0x3FB6]  }
0x2e: {  	s3 =	simm.s32 @!p0 $0x1082;
	s9 =	sld [smem:$0x3FB7]  }
0x2f: {  	lr =	sadd.s32 s0, s3;
	s0 =	sld [smem:$0x3FAE]  }
0x30: {  	s3 =	sld [smem:$0x3FB1]  }
0x31: {  	[smem:$0x3FBA] =	sst s10  }
0x32: {  	s10 =	sld [smem:$0x3FB8];
	_ =	sdelay $0x3  }
0x33: {  	p0 =	seq.s32 s10, $0x1;
	s10 =	sld [smem:$0x3FBA];
	_ =	sdelay $0x3  }
0x34: {  	[smem:$0x3FBA] =	sst s10  }
0x35: {  	s10 =	sld [smem:$0x3FB9];
	_ =	sdelay $0x3  }
0x36: {  	p1 =	seq.s32 s10, $0x1;
	s10 =	sld [smem:$0x3FBA];
	_ =	sdelay $0x3  }
0x37: {  	[smem:$0x3FBA] =	sst s10  }
0x38: {  	s10 =	sld [smem:$0x3FBB]  }
0x39: {  	_ = 	snop;
	(pc) =	sbr.ind lr, $3  }
0x3a: {  	_ = 	snop  }
0x3b: {  	_ = 	snop  }
0x3c: {  	p2 =	seq.s32 s10, $0x1;
	s10 =	sld [smem:$0x3FBA]  }
0x3d: {  	_ =	shalt  }
0x3e: {  	_ =	shalt  }
0x3f: {  	_ =	shalt  }
0x40: {  	_ =	shalt  }
0x41: {  	_ =	shalt  }
0x42: {  	_ =	shalt  }
0x43: {  	_ =	shalt  }
0x44: {  	_ =	shalt  }
0x45: {  	_ =	shalt  }
0x46: {  	_ =	shalt  }
0x47: {  	_ =	shalt  }
0x48: {  	_ =	shalt  }
0x49: {  	_ =	shalt  }
0x4a: {  	_ =	shalt  }
0x4b: {  	_ =	shalt  }
0x4c: {  	_ =	shalt  }
0x4d: {  	_ =	shalt  }
0x4e: {  	_ =	shalt  }
0x4f: {  	_ =	shalt  }
0x50: {  	_ =	shalt  }
0x51: {  	_ =	shalt  }
0x52: {  	_ =	shalt  }
0x53: {  	_ =	shalt  }
0x54: {  	_ =	shalt  }
0x55: {  	_ =	shalt  }
0x56: {  	_ =	shalt  }
0x57: {  	_ =	shalt  }
0x58: {  	_ =	shalt  }
0x59: {  	_ =	shalt  }
0x5a: {  	_ =	shalt  }
0x5b: {  	_ =	shalt  }
0x5c: {  	_ =	shalt  }
0x5d: {  	_ =	shalt  }
0x5e: {  	_ =	shalt  }
0x5f: {  	_ =	shalt  }
0x60: {  	_ =	shalt  }
0x61: {  	_ =	shalt  }
0x62: {  	_ =	shalt  }
0x63: {  	_ =	shalt  }
0x64: {  	_ =	shalt  }
0x65: {  	_ =	shalt  }
0x66: {  	_ =	shalt  }
0x67: {  	_ =	shalt  }
0x68: {  	_ =	shalt  }
0x69: {  	_ =	shalt  }
0x6a: {  	_ =	shalt  }
0x6b: {  	_ =	shalt  }
0x6c: {  	_ =	shalt  }
0x6d: {  	_ =	shalt  }
0x6e: {  	_ =	shalt  }
0x6f: {  	_ =	shalt  }
0x70: {  	_ =	shalt  }
0x71: {  	_ =	shalt  }
0x72: {  	_ =	shalt  }
0x73: {  	_ =	shalt  }
0x74: {  	_ =	shalt  }
0x75: {  	_ =	shalt  }
0x76: {  	_ =	shalt  }
0x77: {  	_ =	shalt  }
0x78: {  	_ =	shalt  }
0x79: {  	_ =	shalt  }
0x7a: {  	_ =	shalt  }
0x7b: {  	_ =	shalt  }
0x7c: {  	_ =	shalt  }
0x7d: {  	_ =	shalt  }
0x7e: {  	_ =	shalt  }
0x7f: {  	_ =	shalt  }
0x80: {  	_ =	shalt  }
0x81: {  	_ =	shalt  }
0x82: {  	_ =	shalt  }
0x83: {  	_ =	shalt  }
0x84: {  	_ =	shalt  }
0x85: {  	_ =	shalt  }
0x86: {  	_ =	shalt  }
0x87: {  	_ =	shalt  }
.Lfunc_end0:
.L_simem_size_0:
called_computation_lowered:
.L_overlay_start_0:
0x88: {  	s2 =	sld [smem:$0x3FD9]  }
0x89: {  	s3 =	sld [smem:$0x3FFE];
	_ =	sdelay $0x1  }
0x8a: {  	s1 =	srdreg.scid  }
0x8b: {  	s0 =	sand.u32 $0x1, s1  }
0x8c: {  	s17 =	sshll.u32 s0, $0xA;
	s2 =	sadd.s32 s3, s2  }
0x8d: {  	s2 =	sadd.s32 s2, s17  }
0x8e: {  	[smem:$0x3FC6] =	sst s2  }
0x8f: {  	_ = 	snop  }
0x90: {  	s2 =	sld [smem:$0x3FC8]  }
0x91: {  	s18 =	sld [smem:$0x3FD0];
	(tm) =	ssettm $0x1  }
0x92: {  	s4 =	sld [smem:$0x3FFB];
	_ =	sdelay $0x3  }
0x93: {  	_ =	strace s4  }
0x94: {  	s4 =	sld [smem:$0x3FFC];
	_ =	sdelay $0x3  }
0x95: {  	_ =	strace s4  }
0x96: {  	s4 =	sld [smem:$0x3FFD];
	_ =	sdelay $0x3  }
0x97: {  	_ =	strace s4  }
0x98: {  	_ =	strace $0x8FFFFFFF  }
0x99: {  	s19 =	sld [smem:$0x3FDB];
	_ =	sdelay $0x1  }
0x9a: {  	s5 =	simm.s32 $_scs_section_size  }
0x9b: {  	s6 =	simm.s32 $_size__tile_overlayer_lowered;
	s7 =	simm.s32 $_tile_overlayer_lowered  }
0x9c: {  	s22 =	simm.s32 $0x1BFF;
	s21 =	sshll.u32 s7, $0x1;
	s4 =	sadd.s32 s5, s19  }
0x9d: {  	s8 =	simm.s32 $0x0;
	s20 =	sshll.u32 s6, $0x1;
	s6 =	sadd.s32 s21, s4  }
0x9e: {  	[timem:s8], [sflag:s22] =	dma.local [hbm:s6], s20  }
0x9f: {  	_ =	swait.ge [sflag:s22], s20  }
0xa0: {  	s5 =	ssub.s32 $0x0, s20;
	[sflag:s22] =	ssyncset.done $0x0  }
0xa1: {  	[sflag:s22] =	ssyncadd.s32 s5;
	_ =	sdelay $0x1  }
0xa2: {  	s23 =	simm.s32 $0x1B8B  }
0xa3: {  	_ =	swait.ge [sflag:s23], $0x1  }
0xa4: {  	[sflag:s23] =	ssyncset.done $0x0  }
0xa5: {  	s25 =	simm.s32 $0x1B8E;
	s24 =	sld [smem:$0x3FFE];
	[sflag:s23] =	ssyncadd.s32 $0xFFFFFFFF  }
0xa6: {  	s26 =	simm.s32 $execute0_lowered;
	[smem:$0x3FD2] =	sst s25  }
0xa7: {  	s6 =	sshll.u32 s26, $0x1;
	_ =	strace $0x80000046;
	[dreg:$0x1] =	wrdreg $0xFFFFFFFF  }
0xa8: {  	s28 =	simm.s32 $_size_execute0_lowered;
	s4 =	sadd.s32 s4, s6;
	[dreg:$0x0] =	wrdreg $0x0  }
0xa9: {  	s6 =	sshll.u32 s28, $0x1;
	[dreg:$0x2] =	wrdreg s4  }
0xaa: {  	[dreg:$0x3] =	wrdreg s6  }
0xab: {  	[dreg:$0x4] =	wrdreg $0xC0  }
0xac: {  	_ =	task [dreg:s8], $0x5FFFF  }
0xad: {  	[dreg:$0x1] =	wrdreg $0xFFFFFFFF  }
0xae: {  	[dreg:$0x0] =	wrdreg $0x60  }
0xaf: {  	[dreg:$0x2] =	wrdreg s24  }
0xb0: {  	[dreg:$0x3] =	wrdreg s2  }
0xb1: {  	[dreg:$0x4] =	wrdreg s18  }
0xb2: {  	[dreg:$0x5] =	wrdreg $0x64000  }
0xb3: {  	[dreg:$0x6] =	wrdreg $0x9  }
0xb4: {  	_ =	task.clear_ibuf [dreg:s8], $0x7FFFF;
	_ =	strace $0x90000046  }
0xb5: {  	s29 =	simm.s32 $0x9;
	_ =	strace $0x80000048  }
0xb6: {  	_ =	swait.ge [sflag:s29], $0x1  }
0xb7: {  	[sflag:s29] =	ssyncadd.s32 $0xFFFFFFFF  }
0xb8: {  	_ =	strace $0x90000048  }
0xb9: {  	_ =	sfence  }
0xba: {  	s30 =	sld [smem:$0x0];
	_ =	sdelay $0x2  }
0xbb: {  	s31 =	sshll.u32 s1, $0xD;
	s1 =	sshrl.u32 s1, $0x2  }
0xbc: {  	s3 =	sand.u32 $0x4000, s31;
	s1 =	sadd.s32 s1, s30  }
0xbd: {  	s0 =	sor.u32 s3, s0;
	s1 =	sshll.u32 s1, $0x11  }
0xbe: {  	s0 =	sor.u32 s1, s0  }
0xbf: {  	s0 =	sadd.s32 $0x8F2B, s0  }
0xc0: {  	[sflag:s0] =	ssyncadd.remote.s32 $0x1  }
0xc1: {  	_ =	sfence.sel $0xFFFF  }
0xc2: {  	[dreg:$0x0] =	wrdreg $0xFFFFFFFF;
	(pc) =	sbr.abs _section_cstart, $3  }
0xc3: {  	[dreg:$0x1] =	wrdreg $0xFFFFFFFF  }
0xc4: {  	_ =	task.clear_ibuf [dreg:s8], $0x2FFFF;
	_ =	strace $0x9FFFFFFF  }
0xc5: {  	(tm) =	ssettm $0x7FFFFFFF  }
tec
execute0_lowered:
.L_overlay_start_1:
0x0: {  	(tag) =	ssettag $0x1  }
0x1: {  	s0 =	rddreg [dreg:$0x0]  }
0x2: {  	s1 =	rddreg [dreg:$0x2]  }
0x3: {  	s3 =	srdreg.scid;
	s4 =	stileid.u32  }
0x4: {  	s2 =	rddreg [dreg:$0x3];
	s28 =	simm.s32 $0x11400;
	s30 =	simm.s32 $0x13400  }
0x5: {  	s31 =	simm.s32 $0x1;
	s29 =	simm.s32 $0xB;
	s11 =	simm.s32 $0x8  }
0x6: {  	s12 =	simm.s32 $0x10;
	s14 =	simm.s32 $0x0;
	s5 =	sand.u32 $0x1, s3  }
0x7: {  	s6 =	sshll.u32 s4, $0x1;
	s3 =	simm.s32 $0x0;
	s21 =	smul.u32 $0xC8000, s4  }
0x8: {  	s6 =	sor.u32 s5, s6;
	s8 =	ssub.s32 $0x2, s5;
	s5 =	smul.u32 $0x64000, s5  }
0x9: {  	p0 =	sne.s32 s4, $0x0;
	s4 =	simm.s32 $0xC;
	s7 =	smul.u32 $0x6400, s6  }
0xa: {  	[smem:$0x7FF] =	sst s3;
	s9 =	smul.u32 $0x320000, s6;
	s10 =	sshrl.u32 s8, $0x1  }
0xb: {  	_ =	strace $0x80000047;
	s6 =	smul.u32 $0x64000, s6;
	s15 =	ssub.s32 s8, s10  }
0xc: {  	s10 =	simm.s32 $0xF;
	s7 =	sshrl.u32 s7, $0x3;
	s16 =	sshrl.u32 s9, $0x3  }
0xd: {  	s17 =	sadd.s32 s1, s6;
	s26 =	smax.u32 s15, $0x1;
	s6 =	simm.s32 $0xD  }
0xe: {  	s9 =	simm.s32 $0x7;
	s0 =	sadd.s32 s7, s0;
	[dreg:$0x6] =	wrdreg s17  }
0xf: {  	s18 =	sadd.s32 s1, s16;
	[dreg:$0xe] =	wrdreg s26;
	s0 =	sadd.s32 $0x400, s0  }
0x10: {  	s1 =	sadd.s32 s21, s1;
	s19 =	sadd.s32 $0x62400, s18;
	[dreg:$0x5] =	wrdreg s0  }
0x11: {  	s17 =	simm.s32 $0x40;
	s20 =	sadd.s32 $0x62800, s18;
	[dreg:$0x7] =	wrdreg s19  }
0x12: {  	s21 =	simm.s32 $0xB400;
	s8 =	sadd.s32 $0x62C00, s18;
	[dreg:$0x8] =	wrdreg s20  }
0x13: {  	s26 =	simm.s32 $0x3;
	s22 =	sadd.s32 $0x63000, s18;
	[dreg:$0x9] =	wrdreg s8  }
0x14: {  	s7 =	simm.s32 $0x6;
	s23 =	sadd.s32 $0x63400, s18;
	[dreg:$0xa] =	wrdreg s22  }
0x15: {  	s24 =	sadd.s32 $0x63800, s18;
	s25 =	sadd.s32 s5, s1;
	[dreg:$0xb] =	wrdreg s23  }
0x16: {  	s1 =	simm.s32 $0x4;
	s5 =	simm.s32 $0x5;
	[dreg:$0xc] =	wrdreg s24  }
0x17: {  	s0 =	sadd.s32 $0x63C00, s18;
	s18 =	simm.s32 $0x7400;
	s19 =	simm.s32 $0x9400  }
0x18: {  	s23 =	simm.s32 $0xD400;
	s20 =	simm.s32 $0x9;
	s22 =	simm.s32 $0x2  }
0x19: {  	s24 =	simm.s32 $0xA;
	[dreg:$0xd] =	wrdreg s0;
	s0 =	sadd.s32 $0x1000, s25  }
0x1a: {  	s8 =	simm.s32 $0xE;
	[dreg:$0xf] =	wrdreg s0;
	s0 =	sshrl.u32 @!p0 s2, $0x3  }
0x1b: {  	s25 =	simm.s32 $0xF400;
	[dreg:$0x10] =	wrdreg s0;
	s0 =	simm.s32 $0x15400  }
.LBB2_1:
0x1c: {  	[dreg:$0x11] =	wrdreg s14  }
0x1d: {  	s14 =	rddreg [dreg:$0x1]  }
0x1e: {  	s13 =	simm.s32 @!p0 $0x1C11;
	s15 =	rddreg [dreg:$0x10]  }
0x1f: {  	[spmem:s15], [sflag:s13] =	dma.local @!p0 [hbm:s14], $0x2000  }
0x20: {  	s13 =	simm.s32 @!p0 $0x11  }
0x21: {  	_ =	swait.ge @!p0 [sflag:s13], $0x2000  }
0x22: {  	[sflag:s13] =	ssyncset.done @!p0 $0x0  }
0x23: {  	[sflag:s13] =	ssyncadd.s32 @!p0 $0xFFFFE000  }
0x24: {  	[bflag:$0x0] =	sbarrier.arrive $0xFFFF  }
0x25: {  	s16 =	simm.s32 $0x11;
	s15 =	rddreg [dreg:$0x5]  }
0x26: {  	[tilespmem:s3], [sflag:$0x11] =	stream.linear.gather [hbm4b:s15+s3], $0x6400, $0x38;
	[tilespmem:$0x17400] =	vst v63  }
0x27: {  	_ =	swait.ge [sflag:s16], $0x6400  }
0x28: {  	[sflag:s16] =	ssyncset.done $0x0  }
0x29: {  	[sflag:s16] =	ssyncadd.s32 $0xFFFF9C00  }
0x2a: {  	[tilespmem:s18], [sflag:$0x1] =	stream.indirect.gather [spmem:s2], $0x80, s3, s17, $0xb8;
	[tilespmem:$0x17400] =	vst v63  }
0x2b: {  	_ = 	snop  }
0x2c: {  	[tilespmem:s19], [sflag:$0x2] =	stream.indirect.gather [spmem:s2], $0x80, s17, s17, $0xb8;
	[tilespmem:$0x17400] =	vst v63  }
0x2d: {  	s14 =	simm.s32 $0x80  }
0x2e: {  	[tilespmem:s21], [sflag:$0x3] =	stream.indirect.gather [spmem:s2], $0x80, s14, s17, $0xb8;
	[tilespmem:$0x17400] =	vst v63  }
0x2f: {  	s15 =	simm.s32 $0xC0  }
0x30: {  	[tilespmem:s23], [sflag:$0x4] =	stream.indirect.gather [spmem:s2], $0x80, s15, s17, $0xb8;
	[tilespmem:$0x17400] =	vst v63  }
0x31: {  	s16 =	simm.s32 $0x100  }
0x32: {  	[tilespmem:s25], [sflag:$0x5] =	stream.indirect.gather [spmem:s2], $0x80, s16, s17, $0xb8;
	[tilespmem:$0x17400] =	vst v63  }
0x33: {  	s14 =	simm.s32 $0x140  }
0x34: {  	[tilespmem:s28], [sflag:$0x6] =	stream.indirect.gather [spmem:s2], $0x80, s14, s17, $0xb8;
	[tilespmem:$0x17400] =	vst v63  }
0x35: {  	s15 =	simm.s32 $0x180  }
0x36: {  	[tilespmem:s30], [sflag:$0x7] =	stream.indirect.gather [spmem:s2], $0x80, s15, s17, $0xb8;
	[tilespmem:$0x17400] =	vst v63  }
0x37: {  	_ =	swait.ge [sflag:s31], $0x2000  }
0x38: {  	[sflag:s31] =	ssyncset.done $0x0  }
0x39: {  	s16 =	rddreg [dreg:$0x6];
	[sflag:s31] =	ssyncadd.s32 $0xFFFFE000  }
0x3a: {  	[hbm4b:s16+s3] =	stream.linear.scatter [tilespmem:s18], [sflag:$0x9], $0x2000, $0x38;
	[tilespmem:$0x17400] =	vst v63  }
0x3b: {  	s14 =	simm.s32 $0x1C0  }
0x3c: {  	[tilespmem:s0], [sflag:$0x8] =	stream.indirect.gather [spmem:s2], $0x80, s14, s17, $0xb8;
	[tilespmem:$0x17400] =	vst v63  }
0x3d: {  	_ =	swait.ge [sflag:s20], $0x2000  }
0x3e: {  	[sflag:s20] =	ssyncset.done $0x0  }
0x3f: {  	s15 =	simm.s32 $0x200;
	[sflag:s20] =	ssyncadd.s32 $0xFFFFE000  }
0x40: {  	[tilespmem:s18], [sflag:$0x1] =	stream.indirect.gather [spmem:s2], $0x80, s15, s17, $0xb8;
	[tilespmem:$0x17400] =	vst v63  }
0x41: {  	_ =	swait.ge [sflag:s22], $0x2000  }
0x42: {  	[sflag:s22] =	ssyncset.done $0x0;
	s14 =	rddreg [dreg:$0xf]  }
0x43: {  	[sflag:s22] =	ssyncadd.s32 $0xFFFFE000;
	s16 =	sadd.s32 $0xFFFFF400, s14  }
0x44: {  	[hbm4b:s16+s3] =	stream.linear.scatter [tilespmem:s19], [sflag:$0xA], $0x2000, $0x38;
	[tilespmem:$0x17400] =	vst v63  }
0x45: {  	_ =	swait.ge [sflag:s24], $0x2000  }
0x46: {  	[sflag:s24] =	ssyncset.done $0x0  }
0x47: {  	s15 =	simm.s32 $0x240;
	[sflag:s24] =	ssyncadd.s32 $0xFFFFE000  }
0x48: {  	[tilespmem:s19], [sflag:$0x2] =	stream.indirect.gather [spmem:s2], $0x80, s15, s17, $0xb8;
	[tilespmem:$0x17400] =	vst v63  }
0x49: {  	_ =	swait.ge [sflag:s26], $0x2000  }
0x4a: {  	[sflag:s26] =	ssyncset.done $0x0  }
0x4b: {  	s16 =	sadd.s32 $0xFFFFF800, s14;
	[sflag:s26] =	ssyncadd.s32 $0xFFFFE000  }
0x4c: {  	[hbm4b:s16+s3] =	stream.linear.scatter [tilespmem:s21], [sflag:$0xB], $0x2000, $0x38;
	[tilespmem:$0x17400] =	vst v63  }
0x4d: {  	_ =	swait.ge [sflag:s29], $0x2000  }
0x4e: {  	[sflag:s29] =	ssyncset.done $0x0  }
0x4f: {  	s15 =	simm.s32 $0x280;
	[sflag:s29] =	ssyncadd.s32 $0xFFFFE000  }
0x50: {  	[tilespmem:s21], [sflag:$0x3] =	stream.indirect.gather [spmem:s2], $0x80, s15, s17, $0xb8;
	[tilespmem:$0x17400] =	vst v63  }
0x51: {  	_ =	swait.ge [sflag:s1], $0x2000  }
0x52: {  	[sflag:s1] =	ssyncset.done $0x0  }
0x53: {  	s16 =	sadd.s32 $0xFFFFFC00, s14;
	[sflag:s1] =	ssyncadd.s32 $0xFFFFE000  }
0x54: {  	[hbm4b:s16+s3] =	stream.linear.scatter [tilespmem:s23], [sflag:$0xC], $0x2000, $0x38;
	[tilespmem:$0x17400] =	vst v63  }
0x55: {  	_ =	swait.ge [sflag:s4], $0x2000  }
0x56: {  	[sflag:s4] =	ssyncset.done $0x0  }
0x57: {  	s15 =	simm.s32 $0x2C0;
	[sflag:s4] =	ssyncadd.s32 $0xFFFFE000  }
0x58: {  	[tilespmem:s23], [sflag:$0x4] =	stream.indirect.gather [spmem:s2], $0x80, s15, s17, $0xb8;
	[tilespmem:$0x17400] =	vst v63  }
0x59: {  	_ =	swait.ge [sflag:s5], $0x2000  }
0x5a: {  	[sflag:s5] =	ssyncset.done $0x0  }
0x5b: {  	[sflag:s5] =	ssyncadd.s32 $0xFFFFE000  }
0x5c: {  	[hbm4b:s14+s3] =	stream.linear.scatter [tilespmem:s25], [sflag:$0xD], $0x2000, $0x38;
	[tilespmem:$0x17400] =	vst v63  }
0x5d: {  	_ =	swait.ge [sflag:s6], $0x2000  }
0x5e: {  	[sflag:s6] =	ssyncset.done $0x0  }
0x5f: {  	s16 =	simm.s32 $0x300;
	[sflag:s6] =	ssyncadd.s32 $0xFFFFE000  }
0x60: {  	[tilespmem:s25], [sflag:$0x5] =	stream.indirect.gather [spmem:s2], $0x80, s16, s17, $0xb8;
	[tilespmem:$0x17400] =	vst v63  }
0x61: {  	_ =	swait.ge [sflag:s7], $0x2000  }
0x62: {  	[sflag:s7] =	ssyncset.done $0x0  }
0x63: {  	s15 =	sadd.s32 $0x400, s14;
	[sflag:s7] =	ssyncadd.s32 $0xFFFFE000  }
0x64: {  	[hbm4b:s15+s3] =	stream.linear.scatter [tilespmem:s28], [sflag:$0xE], $0x2000, $0x38;
	[tilespmem:$0x17400] =	vst v63  }
0x65: {  	_ =	swait.ge [sflag:s8], $0x2000  }
0x66: {  	[sflag:s8] =	ssyncset.done $0x0  }
0x67: {  	s16 =	simm.s32 $0x340;
	[sflag:s8] =	ssyncadd.s32 $0xFFFFE000  }
0x68: {  	[tilespmem:s28], [sflag:$0x6] =	stream.indirect.gather [spmem:s2], $0x80, s16, s17, $0xb8;
	[tilespmem:$0x17400] =	vst v63  }
0x69: {  	_ =	swait.ge [sflag:s9], $0x2000  }
0x6a: {  	[sflag:s9] =	ssyncset.done $0x0  }
0x6b: {  	s15 =	sadd.s32 $0x800, s14;
	[sflag:s9] =	ssyncadd.s32 $0xFFFFE000  }
0x6c: {  	[hbm4b:s15+s3] =	stream.linear.scatter [tilespmem:s30], [sflag:$0xF], $0x2000, $0x38;
	[tilespmem:$0x17400] =	vst v63  }
0x6d: {  	_ =	swait.ge [sflag:s10], $0x2000  }
0x6e: {  	[sflag:s10] =	ssyncset.done $0x0  }
0x6f: {  	s16 =	simm.s32 $0x380;
	[sflag:s10] =	ssyncadd.s32 $0xFFFFE000  }
0x70: {  	[tilespmem:s30], [sflag:$0x7] =	stream.indirect.gather [spmem:s2], $0x80, s16, s17, $0xb8;
	[tilespmem:$0x17400] =	vst v63  }
0x71: {  	_ =	swait.ge [sflag:s11], $0x2000  }
0x72: {  	[sflag:s11] =	ssyncset.done $0x0  }
0x73: {  	s15 =	sadd.s32 $0xC00, s14;
	[sflag:s11] =	ssyncadd.s32 $0xFFFFE000  }
0x74: {  	[hbm4b:s15+s3] =	stream.linear.scatter [tilespmem:s0], [sflag:$0x10], $0x2000, $0x38;
	[tilespmem:$0x17400] =	vst v63  }
0x75: {  	_ =	swait.ge [sflag:s12], $0x2000  }
0x76: {  	[sflag:s12] =	ssyncset.done $0x0  }
0x77: {  	s16 =	simm.s32 $0x3C0;
	[sflag:s12] =	ssyncadd.s32 $0xFFFFE000  }
0x78: {  	[tilespmem:s0], [sflag:$0x8] =	stream.indirect.gather [spmem:s2], $0x80, s16, s17, $0xb8;
	[tilespmem:$0x17400] =	vst v63  }
0x79: {  	_ =	swait.ge [sflag:s31], $0x2000  }
0x7a: {  	s13 =	sadd.s32 $0x1000, s14;
	[sflag:s31] =	ssyncset.done $0x0  }
0x7b: {  	s15 =	simm.s32 $0x800;
	s16 =	sadd.s32 $0x2000, s14;
	[sflag:s31] =	ssyncadd.s32 $0xFFFFE000  }
.LBB2_2:
0x7c: {  	[hbm4b:s13+s3] =	stream.linear.scatter [tilespmem:s18], [sflag:$0x9], $0x2000, $0x38;
	[tilespmem:$0x17400] =	vst v63  }
0x7d: {  	s13 =	smov.u32 s15  }
0x7e: {  	p1 =	sne.s32 s15, $0x18000;
	s15 =	sadd.s32 $0x800, s15;
	_ =	swait.ge [sflag:s20], $0x2000  }
0x7f: {  	s13 =	sshra.s32 s13, $0x2;
	[sflag:s20] =	ssyncset.done $0x0  }
0x80: {  	s14 =	sadd.s32 $0x200, s13;
	[sflag:s20] =	ssyncadd.s32 $0xFFFFE000  }
0x81: {  	[tilespmem:s18], [sflag:$0x1] =	stream.indirect.gather [spmem:s2], $0x80, s14, s17, $0xb8;
	[tilespmem:$0x17400] =	vst v63  }
0x82: {  	_ =	swait.ge [sflag:s22], $0x2000  }
0x83: {  	[sflag:s22] =	ssyncset.done $0x0  }
0x84: {  	s14 =	sadd.s32 $0xFFFFF400, s16;
	[sflag:s22] =	ssyncadd.s32 $0xFFFFE000  }
0x85: {  	[hbm4b:s14+s3] =	stream.linear.scatter [tilespmem:s19], [sflag:$0xA], $0x2000, $0x38;
	[tilespmem:$0x17400] =	vst v63  }
0x86: {  	_ =	swait.ge [sflag:s24], $0x2000  }
0x87: {  	[sflag:s24] =	ssyncset.done $0x0  }
0x88: {  	s14 =	sadd.s32 $0x240, s13;
	[sflag:s24] =	ssyncadd.s32 $0xFFFFE000  }
0x89: {  	[tilespmem:s19], [sflag:$0x2] =	stream.indirect.gather [spmem:s2], $0x80, s14, s17, $0xb8;
	[tilespmem:$0x17400] =	vst v63  }
0x8a: {  	_ =	swait.ge [sflag:s26], $0x2000  }
0x8b: {  	[sflag:s26] =	ssyncset.done $0x0  }
0x8c: {  	s14 =	sadd.s32 $0xFFFFF800, s16;
	[sflag:s26] =	ssyncadd.s32 $0xFFFFE000  }
0x8d: {  	[hbm4b:s14+s3] =	stream.linear.scatter [tilespmem:s21], [sflag:$0xB], $0x2000, $0x38;
	[tilespmem:$0x17400] =	vst v63  }
0x8e: {  	_ =	swait.ge [sflag:s29], $0x2000  }
0x8f: {  	[sflag:s29] =	ssyncset.done $0x0  }
0x90: {  	s14 =	sadd.s32 $0x280, s13;
	[sflag:s29] =	ssyncadd.s32 $0xFFFFE000  }
0x91: {  	[tilespmem:s21], [sflag:$0x3] =	stream.indirect.gather [spmem:s2], $0x80, s14, s17, $0xb8;
	[tilespmem:$0x17400] =	vst v63  }
0x92: {  	_ =	swait.ge [sflag:s1], $0x2000  }
0x93: {  	[sflag:s1] =	ssyncset.done $0x0  }
0x94: {  	s14 =	sadd.s32 $0xFFFFFC00, s16;
	[sflag:s1] =	ssyncadd.s32 $0xFFFFE000  }
0x95: {  	[hbm4b:s14+s3] =	stream.linear.scatter [tilespmem:s23], [sflag:$0xC], $0x2000, $0x38;
	[tilespmem:$0x17400] =	vst v63  }
0x96: {  	_ =	swait.ge [sflag:s4], $0x2000  }
0x97: {  	[sflag:s4] =	ssyncset.done $0x0  }
0x98: {  	s14 =	sadd.s32 $0x2C0, s13;
	[sflag:s4] =	ssyncadd.s32 $0xFFFFE000  }
0x99: {  	[tilespmem:s23], [sflag:$0x4] =	stream.indirect.gather [spmem:s2], $0x80, s14, s17, $0xb8;
	[tilespmem:$0x17400] =	vst v63  }
0x9a: {  	_ =	swait.ge [sflag:s5], $0x2000  }
0x9b: {  	[sflag:s5] =	ssyncset.done $0x0  }
0x9c: {  	[sflag:s5] =	ssyncadd.s32 $0xFFFFE000  }
0x9d: {  	[hbm4b:s16+s3] =	stream.linear.scatter [tilespmem:s25], [sflag:$0xD], $0x2000, $0x38;
	[tilespmem:$0x17400] =	vst v63  }
0x9e: {  	_ =	swait.ge [sflag:s6], $0x2000  }
0x9f: {  	[sflag:s6] =	ssyncset.done $0x0  }
0xa0: {  	s14 =	sadd.s32 $0x300, s13;
	[sflag:s6] =	ssyncadd.s32 $0xFFFFE000  }
0xa1: {  	[tilespmem:s25], [sflag:$0x5] =	stream.indirect.gather [spmem:s2], $0x80, s14, s17, $0xb8;
	[tilespmem:$0x17400] =	vst v63  }
0xa2: {  	_ =	swait.ge [sflag:s7], $0x2000  }
0xa3: {  	[sflag:s7] =	ssyncset.done $0x0  }
0xa4: {  	s14 =	sadd.s32 $0x400, s16;
	[sflag:s7] =	ssyncadd.s32 $0xFFFFE000  }
0xa5: {  	[hbm4b:s14+s3] =	stream.linear.scatter [tilespmem:s28], [sflag:$0xE], $0x2000, $0x38;
	[tilespmem:$0x17400] =	vst v63  }
0xa6: {  	_ =	swait.ge [sflag:s8], $0x2000  }
0xa7: {  	[sflag:s8] =	ssyncset.done $0x0  }
0xa8: {  	s14 =	sadd.s32 $0x340, s13;
	[sflag:s8] =	ssyncadd.s32 $0xFFFFE000  }
0xa9: {  	[tilespmem:s28], [sflag:$0x6] =	stream.indirect.gather [spmem:s2], $0x80, s14, s17, $0xb8;
	[tilespmem:$0x17400] =	vst v63  }
0xaa: {  	_ =	swait.ge [sflag:s9], $0x2000  }
0xab: {  	[sflag:s9] =	ssyncset.done $0x0  }
0xac: {  	s14 =	sadd.s32 $0x800, s16;
	[sflag:s9] =	ssyncadd.s32 $0xFFFFE000  }
0xad: {  	[hbm4b:s14+s3] =	stream.linear.scatter [tilespmem:s30], [sflag:$0xF], $0x2000, $0x38;
	[tilespmem:$0x17400] =	vst v63  }
0xae: {  	_ =	swait.ge [sflag:s10], $0x2000  }
0xaf: {  	[sflag:s10] =	ssyncset.done $0x0  }
0xb0: {  	s14 =	sadd.s32 $0x380, s13;
	[sflag:s10] =	ssyncadd.s32 $0xFFFFE000  }
0xb1: {  	[tilespmem:s30], [sflag:$0x7] =	stream.indirect.gather [spmem:s2], $0x80, s14, s17, $0xb8;
	[tilespmem:$0x17400] =	vst v63  }
0xb2: {  	_ =	swait.ge [sflag:s11], $0x2000  }
0xb3: {  	[sflag:s11] =	ssyncset.done $0x0  }
0xb4: {  	s14 =	sadd.s32 $0xC00, s16;
	[sflag:s11] =	ssyncadd.s32 $0xFFFFE000  }
0xb5: {  	[hbm4b:s14+s3] =	stream.linear.scatter [tilespmem:s0], [sflag:$0x10], $0x2000, $0x38;
	[tilespmem:$0x17400] =	vst v63  }
0xb6: {  	_ =	swait.ge [sflag:s12], $0x2000  }
0xb7: {  	[sflag:s12] =	ssyncset.done $0x0  }
.Ltmp0:
0xb8: {  	s13 =	sadd.s32 $0x3C0, s13;
	[sflag:s12] =	ssyncadd.s32 $0xFFFFE000;
	(pc) =	sbr.rel @p1 .LBB2_2-.Ltmp0, $4  }
0xb9: {  	[tilespmem:s0], [sflag:$0x8] =	stream.indirect.gather [spmem:s2], $0x80, s13, s17, $0xb8;
	[tilespmem:$0x17400] =	vst v63  }
0xba: {  	_ =	swait.ge [sflag:s31], $0x2000  }
0xbb: {  	[sflag:s31] =	ssyncset.done $0x0  }
0xbc: {  	s13 =	sadd.s32 $0x1000, s16;
	s16 =	sadd.s32 $0x2000, s16;
	[sflag:s31] =	ssyncadd.s32 $0xFFFFE000  }
0xbd: {  	[hbm4b:s13+s3] =	stream.linear.scatter [tilespmem:s18], [sflag:$0x9], $0x2000, $0x38;
	[tilespmem:$0x17400] =	vst v63  }
0xbe: {  	_ =	swait.ge [sflag:s22], $0x2000  }
0xbf: {  	[sflag:s22] =	ssyncset.done $0x0  }
0xc0: {  	s15 =	rddreg [dreg:$0x7];
	[sflag:s22] =	ssyncadd.s32 $0xFFFFE000  }
0xc1: {  	[hbm4b:s15+s3] =	stream.linear.scatter [tilespmem:s19], [sflag:$0xA], $0x2000, $0x38;
	[tilespmem:$0x17400] =	vst v63  }
0xc2: {  	_ =	swait.ge [sflag:s26], $0x2000  }
0xc3: {  	[sflag:s26] =	ssyncset.done $0x0  }
0xc4: {  	s16 =	rddreg [dreg:$0x8];
	[sflag:s26] =	ssyncadd.s32 $0xFFFFE000  }
0xc5: {  	[hbm4b:s16+s3] =	stream.linear.scatter [tilespmem:s21], [sflag:$0xB], $0x2000, $0x38;
	[tilespmem:$0x17400] =	vst v63  }
0xc6: {  	_ =	swait.ge [sflag:s1], $0x2000  }
0xc7: {  	[sflag:s1] =	ssyncset.done $0x0  }
0xc8: {  	s14 =	rddreg [dreg:$0x9];
	[sflag:s1] =	ssyncadd.s32 $0xFFFFE000  }
0xc9: {  	[hbm4b:s14+s3] =	stream.linear.scatter [tilespmem:s23], [sflag:$0xC], $0x2000, $0x38;
	[tilespmem:$0x17400] =	vst v63  }
0xca: {  	_ =	swait.ge [sflag:s5], $0x2000  }
0xcb: {  	[sflag:s5] =	ssyncset.done $0x0  }
0xcc: {  	s15 =	rddreg [dreg:$0xa];
	[sflag:s5] =	ssyncadd.s32 $0xFFFFE000  }
0xcd: {  	[hbm4b:s15+s3] =	stream.linear.scatter [tilespmem:s25], [sflag:$0xD], $0x2000, $0x38;
	[tilespmem:$0x17400] =	vst v63  }
0xce: {  	_ =	swait.ge [sflag:s7], $0x2000  }
0xcf: {  	[sflag:s7] =	ssyncset.done $0x0  }
0xd0: {  	s16 =	rddreg [dreg:$0xb];
	[sflag:s7] =	ssyncadd.s32 $0xFFFFE000  }
0xd1: {  	[hbm4b:s16+s3] =	stream.linear.scatter [tilespmem:s28], [sflag:$0xE], $0x2000, $0x38;
	[tilespmem:$0x17400] =	vst v63  }
0xd2: {  	_ =	swait.ge [sflag:s9], $0x2000  }
0xd3: {  	[sflag:s9] =	ssyncset.done $0x0  }
0xd4: {  	s14 =	rddreg [dreg:$0xc];
	[sflag:s9] =	ssyncadd.s32 $0xFFFFE000  }
0xd5: {  	[hbm4b:s14+s3] =	stream.linear.scatter [tilespmem:s30], [sflag:$0xF], $0x2000, $0x38;
	[tilespmem:$0x17400] =	vst v63  }
0xd6: {  	_ =	swait.ge [sflag:s11], $0x2000  }
0xd7: {  	[sflag:s11] =	ssyncset.done $0x0  }
0xd8: {  	s15 =	rddreg [dreg:$0xd];
	[sflag:s11] =	ssyncadd.s32 $0xFFFFE000  }
0xd9: {  	[hbm4b:s15+s3] =	stream.linear.scatter [tilespmem:s0], [sflag:$0x10], $0x2000, $0x38;
	[tilespmem:$0x17400] =	vst v63  }
0xda: {  	_ =	swait.ge [sflag:s20], $0x2000  }
0xdb: {  	[sflag:s20] =	ssyncset.done $0x0  }
0xdc: {  	[sflag:s20] =	ssyncadd.s32 $0xFFFFE000  }
0xdd: {  	_ =	swait.ge [sflag:s24], $0x2000  }
0xde: {  	[sflag:s24] =	ssyncset.done $0x0  }
0xdf: {  	[sflag:s24] =	ssyncadd.s32 $0xFFFFE000  }
0xe0: {  	_ =	swait.ge [sflag:s29], $0x2000  }
0xe1: {  	[sflag:s29] =	ssyncset.done $0x0  }
0xe2: {  	[sflag:s29] =	ssyncadd.s32 $0xFFFFE000  }
0xe3: {  	_ =	swait.ge [sflag:s4], $0x2000  }
0xe4: {  	[sflag:s4] =	ssyncset.done $0x0  }
0xe5: {  	[sflag:s4] =	ssyncadd.s32 $0xFFFFE000  }
0xe6: {  	_ =	swait.ge [sflag:s6], $0x2000  }
0xe7: {  	[sflag:s6] =	ssyncset.done $0x0  }
0xe8: {  	[sflag:s6] =	ssyncadd.s32 $0xFFFFE000  }
0xe9: {  	_ =	swait.ge [sflag:s8], $0x2000  }
0xea: {  	[sflag:s8] =	ssyncset.done $0x0  }
0xeb: {  	[sflag:s8] =	ssyncadd.s32 $0xFFFFE000  }
0xec: {  	_ =	swait.ge [sflag:s10], $0x2000  }
0xed: {  	[sflag:s10] =	ssyncset.done $0x0  }
0xee: {  	[sflag:s10] =	ssyncadd.s32 $0xFFFFE000  }
0xef: {  	_ =	swait.ge [sflag:s12], $0x2000  }
0xf0: {  	s14 =	rddreg [dreg:$0x11]  }
0xf1: {  	s16 =	rddreg [dreg:$0xe];
	s14 =	sadd.s32 $0x1, s14  }
0xf2: {  	p1 =	sne.s32 s14, s16  }
.Ltmp1:
0xf3: {  	_ = 	snop;
	(pc) =	sbr.rel @p1 .LBB2_1-.Ltmp1, $3  }
0xf4: {  	_ =	sdelay $0x1  }
0xf5: {  	[sflag:s12] =	ssyncset.done $0x0  }
0xf6: {  	[sflag:s12] =	ssyncadd.s32 $0xFFFFE000  }
0xf7: {  	_ =	sfence.sel $0x180000  }
0xf8: {  	[bflag:$0x0] =	sbarrier.arrive $0xFFFF  }
0xf9: {  	_ =	strace $0x90000047  }
0xfa: {  	[bflag:$0x2] =	sbarrier.arrive $0xFFFF  }
0xfb: {  	s0 =	rddreg [dreg:$0x4]  }
0xfc: {  	s0 =	sadd.s32 @!p0 $0x100000, s0  }
0xfd: {  	[sflag:s0] =	ssyncadd.tile.s32 @!p0 $0x1;
	_ =	shalt  }
.Lfunc_end2:
_tile_overlayer_lowered:
.L_overlay_start_2:
0xfe: {  	(tag) =	ssettag $0x2  }
0xff: {  	s0 =	rddreg [dreg:$0x0];
	s2 =	stileid.u32  }
0x100: {  	s1 =	rddreg [dreg:$0x1];
	p0 =	sne.s32 s2, $0x0  }
0x101: {  	s3 =	rddreg [dreg:$0x2];
	[bflag:$0x3] =	sbarrier.arrive $0xFFFF;
	s2 =	simm.s32 @!p0 $0x1C11  }
0x102: {  	[timem:s3], [sflag:s2] =	dma.local @!p0 [hbm:s0], s1  }
0x103: {  	s0 =	simm.s32 @!p0 $0x11  }
0x104: {  	_ =	swait.ge @!p0 [sflag:s0], s1  }
0x105: {  	s1 =	ssub.s32 @!p0 $0x0, s1;
	[sflag:s0] =	ssyncset.done @!p0 $0x0  }
0x106: {  	[sflag:s0] =	ssyncadd.s32 @!p0 s1  }
0x107: {  	[bflag:$0x3] =	sbarrier.arrive $0xFFFF  }
0x108: {  	_ =	shalt  }

</sc_bundles>
